<compile_context>
chip_gen: v7x
topology: tpu7x:2x2x1
jax: 0.10.2.dev20260603
libtpu: 0.0.44.dev20260713+nightly
codegen_flags: <defaults>
</compile_context>

<pallas_src>
import functools

import jax
import jax.numpy as jnp
from jax import lax
from jax.experimental import pallas as pl
from jax.experimental.pallas import tpu as pltpu
from jax.experimental.pallas import tpu_sc as plsc

VOCAB = 1000000
D = 64
DP = 128
B = 4096
L = 50
N = B * L
NC, NS, LANES = 2, 16, 16
NW = NC * NS
PER_W = N // NW
CHUNK = 128
NCHUNK = PER_W // CHUNK

_EPS = 1e-8


def _normalize(rows_v, out_v):

    @plsc.parallel_loop(0, CHUNK, unroll=4)
    def _(r):
        vs = [rows_v[r, pl.ds(k * LANES, LANES)] for k in range(D // LANES)]
        sq = [v * v for v in vs]
        s = (sq[0] + sq[1]) + (sq[2] + sq[3])
        t = jnp.broadcast_to(jnp.sum(s), (LANES,))
        ibits = plsc.bitcast(t, jnp.int32)
        seed = jnp.int32(0x5F3759DF) - lax.shift_right_logical(ibits, 1)
        y = plsc.bitcast(seed, jnp.float32)
        for _ in range(2):
            y = y * (1.5 - 0.5 * t * y * y)
        m = 1.0 / (t * y + _EPS)
        for k in range(D // LANES):
            out_v[r, pl.ds(k * LANES, LANES)] = vs[k] * m


def _tec_body(x_hbm, table_hbm, out_hbm,
              idx_v, rows0, rows1, out0, out1, g0, g1, w0, w1):
    cid = lax.axis_index("c")
    sid = lax.axis_index("s")
    wid = sid * NC + cid
    base = wid * PER_W

    pltpu.sync_copy(x_hbm.at[wid], idx_v)

    pltpu.async_copy(table_hbm.at[idx_v.at[0]], rows0, g0)

    def step(c, rows_a, out_a, ga, wa, rows_b, out_b, gb, wb):
        @pl.when(c > 0)
        def _():
            pltpu.make_async_copy(out_b, out_hbm.at[pl.ds(0, CHUNK)], wb).wait()

        @pl.when(c + 1 < NCHUNK)
        def _():
            pltpu.async_copy(table_hbm.at[idx_v.at[c + 1]], rows_b, gb)

        pltpu.make_async_copy(table_hbm.at[idx_v.at[c]], rows_a, ga).wait()
        _normalize(rows_a, out_a)
        pltpu.async_copy(out_a, out_hbm.at[pl.ds(base + c * CHUNK, CHUNK)], wa)

    def pair_body(c2, carry):
        c = c2 * 2
        step(c, rows0, out0, g0, w0, rows1, out1, g1, w1)
        step(c + 1, rows1, out1, g1, w1, rows0, out0, g0, w0)
        return carry

    lax.fori_loop(0, NCHUNK // 2, pair_body, 0)

    pltpu.make_async_copy(out1, out_hbm.at[pl.ds(0, CHUNK)], w1).wait()


@jax.jit
def _embed_norm(x_grouped, table_padded):
    run = pl.kernel(
        _tec_body,
        out_type=jax.ShapeDtypeStruct((N, D), jnp.float32),
        mesh=plsc.VectorSubcoreMesh(
            core_axis_name="c", subcore_axis_name="s",
            num_cores=NC, num_subcores=NS,
        ),
        scratch_types=[
            pltpu.VMEM((NCHUNK, CHUNK), jnp.int32),
            pltpu.VMEM((CHUNK, D), jnp.float32),
            pltpu.VMEM((CHUNK, D), jnp.float32),
            pltpu.VMEM((CHUNK, D), jnp.float32),
            pltpu.VMEM((CHUNK, D), jnp.float32),
            pltpu.SemaphoreType.DMA,
            pltpu.SemaphoreType.DMA,
            pltpu.SemaphoreType.DMA,
            pltpu.SemaphoreType.DMA,
        ],
        compiler_params=pltpu.CompilerParams(
            needs_layout_passes=False,
            use_tc_tiling_on_sc=False,
        ),
    )
    return run(x_grouped, table_padded)


def kernel(x, lengths, embed_weight):
    table_padded = jnp.pad(embed_weight, ((0, 0), (0, DP - D)))
    table_view = table_padded.reshape(2 * VOCAB, D)
    x_grouped = x.reshape(NW, NCHUNK, CHUNK) * 2
    out = _embed_norm(x_grouped, table_view)
    emb = out.reshape(B, L, D)
    return (emb, lengths, emb)

# --- scband reference (transcript-rebuilt; emitter-appended) ---
"""Pipeline reference for scband-word-embedding-38448547234361 (READ-ONLY COPY).

The authoritative reference and input builder live on the scoring server;
editing this copy changes nothing except your own understanding.
"""

import jax, jax.numpy as jnp
import numpy as np

VOCAB = 1000000
WORD_DIM = 64
B = 4096
L = 50


def l2norm(X, eps=1e-08):
    norm = jnp.sqrt(jnp.sum(jnp.power(X, 2), axis=-1, keepdims=True)) + eps
    return X / norm


def setup_inputs(seed: int = 0) -> dict:
    key = jax.random.key(seed)
    k1, k2, k3 = jax.random.split(key, 3)
    x = jax.random.randint(k1, (B, L), 0, VOCAB, dtype=jnp.int32)
    lengths = jax.random.randint(k2, (B,), 1, L + 1, dtype=jnp.int32)
    # Embedding table, initialized uniform(-0.1, 0.1) as in init_weights()
    embed_weight = jax.random.uniform(k3, (VOCAB, WORD_DIM), dtype=jnp.float32, minval=-0.1, maxval=0.1)
    return {"x": x, "lengths": lengths, "embed_weight": embed_weight}


def reference(x, lengths, embed_weight):
    # x = self.embed(x)
    emb = jnp.take(embed_weight, x, axis=0)
    # if not no_txtnorm: x = l2norm(x, dim=-1)
    emb = l2norm(emb)
    cap_emb = emb
    cap_len = lengths
    return (cap_emb, cap_len, emb)

if __name__ == "__main__":
    import jax
    _d = setup_inputs()
    print(jax.jit(kernel)(*tuple(_d.values())))

</pallas_src>

<mosaic_0001>
#map = affine_map<(d0, d1) -> (0, 0, 0)>
#map1 = affine_map<(d0, d1) -> (0, 0)>
module attributes {stable_mosaic.version = 14 : i64} {
  func.func @_tec_body(%arg0: i32, %arg1: i32, %arg2: memref<32x50x128xi32, #tpu.memory_space<hbm>>, %arg3: memref<2000000x64xf32, #tpu.memory_space<hbm>>, %arg4: memref<204800x64xf32, #tpu.memory_space<hbm>>, %arg5: memref<50x128xi32, #tpu.memory_space<vmem>>, %arg6: memref<128x64xf32, #tpu.memory_space<vmem>>, %arg7: memref<128x64xf32, #tpu.memory_space<vmem>>, %arg8: memref<128x64xf32, #tpu.memory_space<vmem>>, %arg9: memref<128x64xf32, #tpu.memory_space<vmem>>, %arg10: memref<!tpu.dma_semaphore, #tpu.memory_space<semaphore_mem>>, %arg11: memref<!tpu.dma_semaphore, #tpu.memory_space<semaphore_mem>>, %arg12: memref<!tpu.dma_semaphore, #tpu.memory_space<semaphore_mem>>, %arg13: memref<!tpu.dma_semaphore, #tpu.memory_space<semaphore_mem>>) attributes {dimension_semantics = [#tpu.dimension_semantics<core_parallel>, #tpu.dimension_semantics<subcore_parallel>], iteration_bounds = array<i64: 2, 16>, scalar_prefetch = 0 : i64, scratch_operands = 9 : i64, tpu.core_type = #tpu.core_type<sc_vector_subcore>, window_params = [{transform_indices = #map}, {transform_indices = #map1}, {transform_indices = #map1}]} {
    %mul3A = arith.constant 2 : i32
    %mul3A_0 = arith.muli %arg1, %mul3A : i32
    %add3A = arith.addi %mul3A_0, %arg0 : i32
    %mul3A_1 = arith.constant 6400 : i32
    %mul3A_2 = arith.muli %add3A, %mul3A_1 : i32
    "tpu.region"() ({
      %run_scoped3A = tpu.sem_alloc : memref<!tpu.dma_semaphore, #tpu.memory_space<semaphore_mem>>
      %dma_start3A_19 = arith.constant 0 : i32
      %dma_start3A_20 = arith.constant 0 : i32
      %dma_start3A_21 = tpu.memref_slice %arg2[%add3A, %dma_start3A_19, %dma_start3A_20] : memref<32x50x128xi32, #tpu.memory_space<hbm>> -> memref<1x50x128xi32, #tpu.memory_space<hbm>>
      %dma_start3A_22 = tpu.memref_squeeze %dma_start3A_21 : memref<1x50x128xi32, #tpu.memory_space<hbm>> -> memref<50x128xi32, #tpu.memory_space<hbm>>
      %dma_start3A_23 = arith.constant 0 : i32
      %dma_start3A_24 = arith.constant 0 : i32
      %dma_start3A_25 = tpu.memref_slice %arg2[%add3A, %dma_start3A_23, %dma_start3A_24] : memref<32x50x128xi32, #tpu.memory_space<hbm>> -> memref<1x50x128xi32, #tpu.memory_space<hbm>>
      %dma_start3A_26 = tpu.memref_squeeze %dma_start3A_25 : memref<1x50x128xi32, #tpu.memory_space<hbm>> -> memref<50x128xi32, #tpu.memory_space<hbm>>
      tpu.enqueue_dma source(%dma_start3A_26 : memref<50x128xi32, #tpu.memory_space<hbm>>) target(%arg5 : memref<50x128xi32, #tpu.memory_space<vmem>>) target_semaphore(%run_scoped3A : memref<!tpu.dma_semaphore, #tpu.memory_space<semaphore_mem>>)
      %dma_wait3A_27 = arith.constant 0 : i32
      %dma_wait3A_28 = arith.constant 0 : i32
      %dma_wait3A_29 = tpu.memref_slice %arg2[%add3A, %dma_wait3A_27, %dma_wait3A_28] : memref<32x50x128xi32, #tpu.memory_space<hbm>> -> memref<1x50x128xi32, #tpu.memory_space<hbm>>
      %dma_wait3A_30 = tpu.memref_squeeze %dma_wait3A_29 : memref<1x50x128xi32, #tpu.memory_space<hbm>> -> memref<50x128xi32, #tpu.memory_space<hbm>>
      %dma_wait3A_31 = arith.constant 0 : i32
      %dma_wait3A_32 = arith.constant 0 : i32
      %dma_wait3A_33 = tpu.memref_slice %arg2[%add3A, %dma_wait3A_31, %dma_wait3A_32] : memref<32x50x128xi32, #tpu.memory_space<hbm>> -> memref<1x50x128xi32, #tpu.memory_space<hbm>>
      %dma_wait3A_34 = tpu.memref_squeeze %dma_wait3A_33 : memref<1x50x128xi32, #tpu.memory_space<hbm>> -> memref<50x128xi32, #tpu.memory_space<hbm>>
      tpu.wait_dma2 semaphore(%run_scoped3A : memref<!tpu.dma_semaphore, #tpu.memory_space<semaphore_mem>>) src(%dma_wait3A_34 : memref<50x128xi32, #tpu.memory_space<hbm>>) dst(%arg5 : memref<50x128xi32, #tpu.memory_space<vmem>>)
      tpu.yield
    }) : () -> ()
    %dma_start3A = arith.constant 0 : i32
    %dma_start3A_3 = arith.constant 0 : i32
    %dma_start3A_4 = tpu.memref_slice %arg5[%dma_start3A, %dma_start3A_3] : memref<50x128xi32, #tpu.memory_space<vmem>> -> memref<1x128xi32, #tpu.memory_space<vmem>>
    %dma_start3A_5 = tpu.memref_squeeze %dma_start3A_4 : memref<1x128xi32, #tpu.memory_space<vmem>> -> memref<128xi32, #tpu.memory_space<vmem>>
    %dma_start3A_6 = arith.constant 0 : i32
    %dma_start3A_7 = arith.constant 0 : i32
    %dma_start3A_8 = tpu.memref_slice %arg3[%dma_start3A_6, %dma_start3A_7] : memref<2000000x64xf32, #tpu.memory_space<hbm>> -> memref<2000000x64xf32, #tpu.memory_space<hbm>>
    tpu.enqueue_indirect_dma source(%dma_start3A_8 : memref<2000000x64xf32, #tpu.memory_space<hbm>>) target(%arg6 : memref<128x64xf32, #tpu.memory_space<vmem>>) offsets(%dma_start3A_5 : memref<128xi32, #tpu.memory_space<vmem>>) semaphore(%arg10 : memref<!tpu.dma_semaphore, #tpu.memory_space<semaphore_mem>>)
    %scan3A = arith.constant 0 : i32
    %scan3A_9 = arith.constant 0 : i32
    %scan3A_10 = arith.constant 25 : i32
    %scan3A_11 = arith.addi %scan3A_9, %scan3A_10 : i32
    %scan3A_12 = arith.constant 1 : i32
    scf.for %scan3A_19 = %scan3A_9 to %scan3A_11 step %scan3A_12  : i32 {
      %mul3A_20 = arith.constant 2 : i32
      %mul3A_21 = arith.muli %scan3A_19, %mul3A_20 : i32
      %gt3A = arith.constant 0 : i32
      %gt3A_22 = arith.cmpi sgt, %mul3A_21, %gt3A : i32
      %convert_element_type3A = arith.extui %gt3A_22 : i1 to i32
      %cond3A = arith.constant 0 : i32
      %cond3A_23 = arith.cmpi ne, %convert_element_type3A, %cond3A : i32
      scf.if %cond3A_23 {
        %dma_wait3A_75 = arith.constant 0 : i32
        %dma_wait3A_76 = arith.constant 0 : i32
        %dma_wait3A_77 = tpu.memref_slice %arg4[%dma_wait3A_75, %dma_wait3A_76] : memref<204800x64xf32, #tpu.memory_space<hbm>> -> memref<128x64xf32, #tpu.memory_space<hbm>>
        %dma_wait3A_78 = arith.constant 0 : i32
        %dma_wait3A_79 = arith.constant 0 : i32
        %dma_wait3A_80 = tpu.memref_slice %arg4[%dma_wait3A_78, %dma_wait3A_79] : memref<204800x64xf32, #tpu.memory_space<hbm>> -> memref<128x64xf32, #tpu.memory_space<hbm>>
        tpu.wait_dma2 semaphore(%arg13 : memref<!tpu.dma_semaphore, #tpu.memory_space<semaphore_mem>>) src(%arg9 : memref<128x64xf32, #tpu.memory_space<vmem>>) dst(%dma_wait3A_80 : memref<128x64xf32, #tpu.memory_space<hbm>>)
      } else {
      }
      %add3A_24 = arith.constant 1 : i32
      %add3A_25 = arith.addi %mul3A_21, %add3A_24 : i32
      %lt3A = arith.constant 50 : i32
      %lt3A_26 = arith.cmpi slt, %add3A_25, %lt3A : i32
      %convert_element_type3A_27 = arith.extui %lt3A_26 : i1 to i32
      %cond3A_28 = arith.constant 0 : i32
      %cond3A_29 = arith.cmpi ne, %convert_element_type3A_27, %cond3A_28 : i32
      scf.if %cond3A_29 {
        %add3A_75 = arith.constant 1 : i32
        %add3A_76 = arith.addi %mul3A_21, %add3A_75 : i32
        %dma_start3A_77 = arith.constant 0 : i32
        %dma_start3A_78 = tpu.memref_slice %arg5[%add3A_76, %dma_start3A_77] : memref<50x128xi32, #tpu.memory_space<vmem>> -> memref<1x128xi32, #tpu.memory_space<vmem>>
        %dma_start3A_79 = tpu.memref_squeeze %dma_start3A_78 : memref<1x128xi32, #tpu.memory_space<vmem>> -> memref<128xi32, #tpu.memory_space<vmem>>
        %dma_start3A_80 = arith.constant 0 : i32
        %dma_start3A_81 = arith.constant 0 : i32
        %dma_start3A_82 = tpu.memref_slice %arg3[%dma_start3A_80, %dma_start3A_81] : memref<2000000x64xf32, #tpu.memory_space<hbm>> -> memref<2000000x64xf32, #tpu.memory_space<hbm>>
        tpu.enqueue_indirect_dma source(%dma_start3A_82 : memref<2000000x64xf32, #tpu.memory_space<hbm>>) target(%arg7 : memref<128x64xf32, #tpu.memory_space<vmem>>) offsets(%dma_start3A_79 : memref<128xi32, #tpu.memory_space<vmem>>) semaphore(%arg11 : memref<!tpu.dma_semaphore, #tpu.memory_space<semaphore_mem>>)
      } else {
      }
      %dma_wait3A_30 = arith.constant 0 : i32
      %dma_wait3A_31 = tpu.memref_slice %arg5[%mul3A_21, %dma_wait3A_30] : memref<50x128xi32, #tpu.memory_space<vmem>> -> memref<1x128xi32, #tpu.memory_space<vmem>>
      %dma_wait3A_32 = tpu.memref_squeeze %dma_wait3A_31 : memref<1x128xi32, #tpu.memory_space<vmem>> -> memref<128xi32, #tpu.memory_space<vmem>>
      %dma_wait3A_33 = arith.constant 0 : i32
      %dma_wait3A_34 = arith.constant 0 : i32
      %dma_wait3A_35 = tpu.memref_slice %arg3[%dma_wait3A_33, %dma_wait3A_34] : memref<2000000x64xf32, #tpu.memory_space<hbm>> -> memref<2000000x64xf32, #tpu.memory_space<hbm>>
      tpu.wait_indirect_dma semaphore(%arg10 : memref<!tpu.dma_semaphore, #tpu.memory_space<semaphore_mem>>) src(%dma_wait3A_35 : memref<2000000x64xf32, #tpu.memory_space<hbm>>) dst(%arg6 : memref<128x64xf32, #tpu.memory_space<vmem>>)
      %parallel_loop3A = arith.constant 0 : i32
      %parallel_loop3A_36 = arith.constant 128 : i32
      %parallel_loop3A_37 = arith.constant 1 : i32
      scf.for %parallel_loop3A_75 = %parallel_loop3A to %parallel_loop3A_36 step %parallel_loop3A_37  : i32 {
        %parallel_loop3A_76 = arith.index_cast %parallel_loop3A_75 : i32 to index
        %parallel_loop3A_77 = arith.constant 0 : index
        %parallel_loop3A_78 = tpu.vector_load %arg6[%parallel_loop3A_76, %parallel_loop3A_77] {strides = array<i32>} : memref<128x64xf32, #tpu.memory_space<vmem>>, vector<16xf32>,
        %parallel_loop3A_79 = arith.index_cast %parallel_loop3A_75 : i32 to index
        %parallel_loop3A_80 = arith.constant 16 : index
        %parallel_loop3A_81 = tpu.vector_load %arg6[%parallel_loop3A_79, %parallel_loop3A_80] {strides = array<i32>} : memref<128x64xf32, #tpu.memory_space<vmem>>, vector<16xf32>,
        %parallel_loop3A_82 = arith.index_cast %parallel_loop3A_75 : i32 to index
        %parallel_loop3A_83 = arith.constant 32 : index
        %parallel_loop3A_84 = tpu.vector_load %arg6[%parallel_loop3A_82, %parallel_loop3A_83] {strides = array<i32>} : memref<128x64xf32, #tpu.memory_space<vmem>>, vector<16xf32>,
        %parallel_loop3A_85 = arith.index_cast %parallel_loop3A_75 : i32 to index
        %parallel_loop3A_86 = arith.constant 48 : index
        %parallel_loop3A_87 = tpu.vector_load %arg6[%parallel_loop3A_85, %parallel_loop3A_86] {strides = array<i32>} : memref<128x64xf32, #tpu.memory_space<vmem>>, vector<16xf32>,
        %parallel_loop3A_88 = arith.mulf %parallel_loop3A_78, %parallel_loop3A_78 : vector<16xf32>
        %parallel_loop3A_89 = arith.mulf %parallel_loop3A_81, %parallel_loop3A_81 : vector<16xf32>
        %parallel_loop3A_90 = arith.mulf %parallel_loop3A_84, %parallel_loop3A_84 : vector<16xf32>
        %parallel_loop3A_91 = arith.mulf %parallel_loop3A_87, %parallel_loop3A_87 : vector<16xf32>
        %parallel_loop3A_92 = arith.addf %parallel_loop3A_88, %parallel_loop3A_89 : vector<16xf32>
        %parallel_loop3A_93 = arith.addf %parallel_loop3A_90, %parallel_loop3A_91 : vector<16xf32>
        %parallel_loop3A_94 = arith.addf %parallel_loop3A_92, %parallel_loop3A_93 : vector<16xf32>
        %parallel_loop3A_95 = arith.constant true
        %parallel_loop3A_96 = vector.broadcast %parallel_loop3A_95 : i1 to vector<16xi1>
        %parallel_loop3A_97 = tpu.scan <sum>, %parallel_loop3A_94 masked %parallel_loop3A_96 : vector<16xf32>, vector<16xi1> -> vector<16xf32>
        %parallel_loop3A_98 = vector.extract %parallel_loop3A_97[15] : f32 from vector<16xf32>
        %parallel_loop3A_99 = vector.broadcast %parallel_loop3A_98 : f32 to vector<16xf32>
        %parallel_loop3A_100 = vector.bitcast %parallel_loop3A_99 : vector<16xf32> to vector<16xi32>
        %parallel_loop3A_101 = arith.constant 1 : i32
        %parallel_loop3A_102 = vector.broadcast %parallel_loop3A_101 : i32 to vector<16xi32>
        %parallel_loop3A_103 = arith.shrui %parallel_loop3A_100, %parallel_loop3A_102 : vector<16xi32>
        %parallel_loop3A_104 = arith.constant 1597463007 : i32
        %parallel_loop3A_105 = vector.broadcast %parallel_loop3A_104 : i32 to vector<16xi32>
        %parallel_loop3A_106 = arith.subi %parallel_loop3A_105, %parallel_loop3A_103 : vector<16xi32>
        %parallel_loop3A_107 = vector.bitcast %parallel_loop3A_106 : vector<16xi32> to vector<16xf32>
        %parallel_loop3A_108 = arith.constant 5.000000e-01 : f32
        %parallel_loop3A_109 = vector.broadcast %parallel_loop3A_108 : f32 to vector<16xf32>
        %parallel_loop3A_110 = arith.mulf %parallel_loop3A_109, %parallel_loop3A_99 : vector<16xf32>
        %parallel_loop3A_111 = arith.mulf %parallel_loop3A_110, %parallel_loop3A_107 : vector<16xf32>
        %parallel_loop3A_112 = arith.mulf %parallel_loop3A_111, %parallel_loop3A_107 : vector<16xf32>
        %parallel_loop3A_113 = arith.constant 1.500000e+00 : f32
        %parallel_loop3A_114 = vector.broadcast %parallel_loop3A_113 : f32 to vector<16xf32>
        %parallel_loop3A_115 = arith.subf %parallel_loop3A_114, %parallel_loop3A_112 : vector<16xf32>
        %parallel_loop3A_116 = arith.mulf %parallel_loop3A_107, %parallel_loop3A_115 : vector<16xf32>
        %parallel_loop3A_117 = arith.constant 5.000000e-01 : f32
        %parallel_loop3A_118 = vector.broadcast %parallel_loop3A_117 : f32 to vector<16xf32>
        %parallel_loop3A_119 = arith.mulf %parallel_loop3A_118, %parallel_loop3A_99 : vector<16xf32>
        %parallel_loop3A_120 = arith.mulf %parallel_loop3A_119, %parallel_loop3A_116 : vector<16xf32>
        %parallel_loop3A_121 = arith.mulf %parallel_loop3A_120, %parallel_loop3A_116 : vector<16xf32>
        %parallel_loop3A_122 = arith.constant 1.500000e+00 : f32
        %parallel_loop3A_123 = vector.broadcast %parallel_loop3A_122 : f32 to vector<16xf32>
        %parallel_loop3A_124 = arith.subf %parallel_loop3A_123, %parallel_loop3A_121 : vector<16xf32>
        %parallel_loop3A_125 = arith.mulf %parallel_loop3A_116, %parallel_loop3A_124 : vector<16xf32>
        %parallel_loop3A_126 = arith.mulf %parallel_loop3A_99, %parallel_loop3A_125 : vector<16xf32>
        %parallel_loop3A_127 = arith.constant 9.99999993E-9 : f32
        %parallel_loop3A_128 = vector.broadcast %parallel_loop3A_127 : f32 to vector<16xf32>
        %parallel_loop3A_129 = arith.addf %parallel_loop3A_126, %parallel_loop3A_128 : vector<16xf32>
        %parallel_loop3A_130 = arith.constant 1.000000e+00 : f32
        %parallel_loop3A_131 = vector.broadcast %parallel_loop3A_130 : f32 to vector<16xf32>
        %parallel_loop3A_132 = arith.divf %parallel_loop3A_131, %parallel_loop3A_129 : vector<16xf32>
        %parallel_loop3A_133 = arith.mulf %parallel_loop3A_78, %parallel_loop3A_132 : vector<16xf32>
        %parallel_loop3A_134 = arith.index_cast %parallel_loop3A_75 : i32 to index
        %parallel_loop3A_135 = arith.constant 0 : index
        %parallel_loop3A_136 = tpu.vector_load %arg8[%parallel_loop3A_134, %parallel_loop3A_135] {strides = array<i32>} : memref<128x64xf32, #tpu.memory_space<vmem>>, vector<16xf32>,
        tpu.vector_store %arg8[%parallel_loop3A_134, %parallel_loop3A_135], %parallel_loop3A_133 {strides = array<i32>} : memref<128x64xf32, #tpu.memory_space<vmem>>, vector<16xf32>,
        %parallel_loop3A_137 = arith.mulf %parallel_loop3A_81, %parallel_loop3A_132 : vector<16xf32>
        %parallel_loop3A_138 = arith.index_cast %parallel_loop3A_75 : i32 to index
        %parallel_loop3A_139 = arith.constant 16 : index
        %parallel_loop3A_140 = tpu.vector_load %arg8[%parallel_loop3A_138, %parallel_loop3A_139] {strides = array<i32>} : memref<128x64xf32, #tpu.memory_space<vmem>>, vector<16xf32>,
        tpu.vector_store %arg8[%parallel_loop3A_138, %parallel_loop3A_139], %parallel_loop3A_137 {strides = array<i32>} : memref<128x64xf32, #tpu.memory_space<vmem>>, vector<16xf32>,
        %parallel_loop3A_141 = arith.mulf %parallel_loop3A_84, %parallel_loop3A_132 : vector<16xf32>
        %parallel_loop3A_142 = arith.index_cast %parallel_loop3A_75 : i32 to index
        %parallel_loop3A_143 = arith.constant 32 : index
        %parallel_loop3A_144 = tpu.vector_load %arg8[%parallel_loop3A_142, %parallel_loop3A_143] {strides = array<i32>} : memref<128x64xf32, #tpu.memory_space<vmem>>, vector<16xf32>,
        tpu.vector_store %arg8[%parallel_loop3A_142, %parallel_loop3A_143], %parallel_loop3A_141 {strides = array<i32>} : memref<128x64xf32, #tpu.memory_space<vmem>>, vector<16xf32>,
        %parallel_loop3A_145 = arith.mulf %parallel_loop3A_87, %parallel_loop3A_132 : vector<16xf32>
        %parallel_loop3A_146 = arith.index_cast %parallel_loop3A_75 : i32 to index
        %parallel_loop3A_147 = arith.constant 48 : index
        %parallel_loop3A_148 = tpu.vector_load %arg8[%parallel_loop3A_146, %parallel_loop3A_147] {strides = array<i32>} : memref<128x64xf32, #tpu.memory_space<vmem>>, vector<16xf32>,
        tpu.vector_store %arg8[%parallel_loop3A_146, %parallel_loop3A_147], %parallel_loop3A_145 {strides = array<i32>} : memref<128x64xf32, #tpu.memory_space<vmem>>, vector<16xf32>,
      } {sc.loop_unroll_factor = 4 : i64, sc.parallel_access}
      %mul3A_38 = arith.constant 128 : i32
      %mul3A_39 = arith.muli %mul3A_21, %mul3A_38 : i32
      %add3A_40 = arith.addi %mul3A_2, %mul3A_39 : i32
      %dma_start3A_41 = arith.constant 0 : i32
      %dma_start3A_42 = tpu.memref_slice %arg4[%add3A_40, %dma_start3A_41] : memref<204800x64xf32, #tpu.memory_space<hbm>> -> memref<128x64xf32, #tpu.memory_space<hbm>>
      %dma_start3A_43 = arith.constant 0 : i32
      %dma_start3A_44 = tpu.memref_slice %arg4[%add3A_40, %dma_start3A_43] : memref<204800x64xf32, #tpu.memory_space<hbm>> -> memref<128x64xf32, #tpu.memory_space<hbm>>
      tpu.enqueue_dma source(%arg8 : memref<128x64xf32, #tpu.memory_space<vmem>>) target(%dma_start3A_44 : memref<128x64xf32, #tpu.memory_space<hbm>>) target_semaphore(%arg12 : memref<!tpu.dma_semaphore, #tpu.memory_space<semaphore_mem>>)
      %add3A_45 = arith.constant 1 : i32
      %add3A_46 = arith.addi %mul3A_21, %add3A_45 : i32
      %gt3A_47 = arith.constant 0 : i32
      %gt3A_48 = arith.cmpi sgt, %add3A_46, %gt3A_47 : i32
      %convert_element_type3A_49 = arith.extui %gt3A_48 : i1 to i32
      %cond3A_50 = arith.constant 0 : i32
      %cond3A_51 = arith.cmpi ne, %convert_element_type3A_49, %cond3A_50 : i32
      scf.if %cond3A_51 {
        %dma_wait3A_75 = arith.constant 0 : i32
        %dma_wait3A_76 = arith.constant 0 : i32
        %dma_wait3A_77 = tpu.memref_slice %arg4[%dma_wait3A_75, %dma_wait3A_76] : memref<204800x64xf32, #tpu.memory_space<hbm>> -> memref<128x64xf32, #tpu.memory_space<hbm>>
        %dma_wait3A_78 = arith.constant 0 : i32
        %dma_wait3A_79 = arith.constant 0 : i32
        %dma_wait3A_80 = tpu.memref_slice %arg4[%dma_wait3A_78, %dma_wait3A_79] : memref<204800x64xf32, #tpu.memory_space<hbm>> -> memref<128x64xf32, #tpu.memory_space<hbm>>
        tpu.wait_dma2 semaphore(%arg12 : memref<!tpu.dma_semaphore, #tpu.memory_space<semaphore_mem>>) src(%arg8 : memref<128x64xf32, #tpu.memory_space<vmem>>) dst(%dma_wait3A_80 : memref<128x64xf32, #tpu.memory_space<hbm>>)
      } else {
      }
      %add3A_52 = arith.constant 1 : i32
      %add3A_53 = arith.addi %add3A_46, %add3A_52 : i32
      %lt3A_54 = arith.constant 50 : i32
      %lt3A_55 = arith.cmpi slt, %add3A_53, %lt3A_54 : i32
      %convert_element_type3A_56 = arith.extui %lt3A_55 : i1 to i32
      %cond3A_57 = arith.constant 0 : i32
      %cond3A_58 = arith.cmpi ne, %convert_element_type3A_56, %cond3A_57 : i32
      scf.if %cond3A_58 {
        %add3A_75 = arith.constant 1 : i32
        %add3A_76 = arith.addi %add3A_46, %add3A_75 : i32
        %dma_start3A_77 = arith.constant 0 : i32
        %dma_start3A_78 = tpu.memref_slice %arg5[%add3A_76, %dma_start3A_77] : memref<50x128xi32, #tpu.memory_space<vmem>> -> memref<1x128xi32, #tpu.memory_space<vmem>>
        %dma_start3A_79 = tpu.memref_squeeze %dma_start3A_78 : memref<1x128xi32, #tpu.memory_space<vmem>> -> memref<128xi32, #tpu.memory_space<vmem>>
        %dma_start3A_80 = arith.constant 0 : i32
        %dma_start3A_81 = arith.constant 0 : i32
        %dma_start3A_82 = tpu.memref_slice %arg3[%dma_start3A_80, %dma_start3A_81] : memref<2000000x64xf32, #tpu.memory_space<hbm>> -> memref<2000000x64xf32, #tpu.memory_space<hbm>>
        tpu.enqueue_indirect_dma source(%dma_start3A_82 : memref<2000000x64xf32, #tpu.memory_space<hbm>>) target(%arg6 : memref<128x64xf32, #tpu.memory_space<vmem>>) offsets(%dma_start3A_79 : memref<128xi32, #tpu.memory_space<vmem>>) semaphore(%arg10 : memref<!tpu.dma_semaphore, #tpu.memory_space<semaphore_mem>>)
      } else {
      }
      %dma_wait3A_59 = arith.constant 0 : i32
      %dma_wait3A_60 = tpu.memref_slice %arg5[%add3A_46, %dma_wait3A_59] : memref<50x128xi32, #tpu.memory_space<vmem>> -> memref<1x128xi32, #tpu.memory_space<vmem>>
      %dma_wait3A_61 = tpu.memref_squeeze %dma_wait3A_60 : memref<1x128xi32, #tpu.memory_space<vmem>> -> memref<128xi32, #tpu.memory_space<vmem>>
      %dma_wait3A_62 = arith.constant 0 : i32
      %dma_wait3A_63 = arith.constant 0 : i32
      %dma_wait3A_64 = tpu.memref_slice %arg3[%dma_wait3A_62, %dma_wait3A_63] : memref<2000000x64xf32, #tpu.memory_space<hbm>> -> memref<2000000x64xf32, #tpu.memory_space<hbm>>
      tpu.wait_indirect_dma semaphore(%arg11 : memref<!tpu.dma_semaphore, #tpu.memory_space<semaphore_mem>>) src(%dma_wait3A_64 : memref<2000000x64xf32, #tpu.memory_space<hbm>>) dst(%arg7 : memref<128x64xf32, #tpu.memory_space<vmem>>)
      %parallel_loop3A_65 = arith.constant 0 : i32
      %parallel_loop3A_66 = arith.constant 128 : i32
      %parallel_loop3A_67 = arith.constant 1 : i32
      scf.for %parallel_loop3A_75 = %parallel_loop3A_65 to %parallel_loop3A_66 step %parallel_loop3A_67  : i32 {
        %parallel_loop3A_76 = arith.index_cast %parallel_loop3A_75 : i32 to index
        %parallel_loop3A_77 = arith.constant 0 : index
        %parallel_loop3A_78 = tpu.vector_load %arg7[%parallel_loop3A_76, %parallel_loop3A_77] {strides = array<i32>} : memref<128x64xf32, #tpu.memory_space<vmem>>, vector<16xf32>,
        %parallel_loop3A_79 = arith.index_cast %parallel_loop3A_75 : i32 to index
        %parallel_loop3A_80 = arith.constant 16 : index
        %parallel_loop3A_81 = tpu.vector_load %arg7[%parallel_loop3A_79, %parallel_loop3A_80] {strides = array<i32>} : memref<128x64xf32, #tpu.memory_space<vmem>>, vector<16xf32>,
        %parallel_loop3A_82 = arith.index_cast %parallel_loop3A_75 : i32 to index
        %parallel_loop3A_83 = arith.constant 32 : index
        %parallel_loop3A_84 = tpu.vector_load %arg7[%parallel_loop3A_82, %parallel_loop3A_83] {strides = array<i32>} : memref<128x64xf32, #tpu.memory_space<vmem>>, vector<16xf32>,
        %parallel_loop3A_85 = arith.index_cast %parallel_loop3A_75 : i32 to index
        %parallel_loop3A_86 = arith.constant 48 : index
        %parallel_loop3A_87 = tpu.vector_load %arg7[%parallel_loop3A_85, %parallel_loop3A_86] {strides = array<i32>} : memref<128x64xf32, #tpu.memory_space<vmem>>, vector<16xf32>,
        %parallel_loop3A_88 = arith.mulf %parallel_loop3A_78, %parallel_loop3A_78 : vector<16xf32>
        %parallel_loop3A_89 = arith.mulf %parallel_loop3A_81, %parallel_loop3A_81 : vector<16xf32>
        %parallel_loop3A_90 = arith.mulf %parallel_loop3A_84, %parallel_loop3A_84 : vector<16xf32>
        %parallel_loop3A_91 = arith.mulf %parallel_loop3A_87, %parallel_loop3A_87 : vector<16xf32>
        %parallel_loop3A_92 = arith.addf %parallel_loop3A_88, %parallel_loop3A_89 : vector<16xf32>
        %parallel_loop3A_93 = arith.addf %parallel_loop3A_90, %parallel_loop3A_91 : vector<16xf32>
        %parallel_loop3A_94 = arith.addf %parallel_loop3A_92, %parallel_loop3A_93 : vector<16xf32>
        %parallel_loop3A_95 = arith.constant true
        %parallel_loop3A_96 = vector.broadcast %parallel_loop3A_95 : i1 to vector<16xi1>
        %parallel_loop3A_97 = tpu.scan <sum>, %parallel_loop3A_94 masked %parallel_loop3A_96 : vector<16xf32>, vector<16xi1> -> vector<16xf32>
        %parallel_loop3A_98 = vector.extract %parallel_loop3A_97[15] : f32 from vector<16xf32>
        %parallel_loop3A_99 = vector.broadcast %parallel_loop3A_98 : f32 to vector<16xf32>
        %parallel_loop3A_100 = vector.bitcast %parallel_loop3A_99 : vector<16xf32> to vector<16xi32>
        %parallel_loop3A_101 = arith.constant 1 : i32
        %parallel_loop3A_102 = vector.broadcast %parallel_loop3A_101 : i32 to vector<16xi32>
        %parallel_loop3A_103 = arith.shrui %parallel_loop3A_100, %parallel_loop3A_102 : vector<16xi32>
        %parallel_loop3A_104 = arith.constant 1597463007 : i32
        %parallel_loop3A_105 = vector.broadcast %parallel_loop3A_104 : i32 to vector<16xi32>
        %parallel_loop3A_106 = arith.subi %parallel_loop3A_105, %parallel_loop3A_103 : vector<16xi32>
        %parallel_loop3A_107 = vector.bitcast %parallel_loop3A_106 : vector<16xi32> to vector<16xf32>
        %parallel_loop3A_108 = arith.constant 5.000000e-01 : f32
        %parallel_loop3A_109 = vector.broadcast %parallel_loop3A_108 : f32 to vector<16xf32>
        %parallel_loop3A_110 = arith.mulf %parallel_loop3A_109, %parallel_loop3A_99 : vector<16xf32>
        %parallel_loop3A_111 = arith.mulf %parallel_loop3A_110, %parallel_loop3A_107 : vector<16xf32>
        %parallel_loop3A_112 = arith.mulf %parallel_loop3A_111, %parallel_loop3A_107 : vector<16xf32>
        %parallel_loop3A_113 = arith.constant 1.500000e+00 : f32
        %parallel_loop3A_114 = vector.broadcast %parallel_loop3A_113 : f32 to vector<16xf32>
        %parallel_loop3A_115 = arith.subf %parallel_loop3A_114, %parallel_loop3A_112 : vector<16xf32>
        %parallel_loop3A_116 = arith.mulf %parallel_loop3A_107, %parallel_loop3A_115 : vector<16xf32>
        %parallel_loop3A_117 = arith.constant 5.000000e-01 : f32
        %parallel_loop3A_118 = vector.broadcast %parallel_loop3A_117 : f32 to vector<16xf32>
        %parallel_loop3A_119 = arith.mulf %parallel_loop3A_118, %parallel_loop3A_99 : vector<16xf32>
        %parallel_loop3A_120 = arith.mulf %parallel_loop3A_119, %parallel_loop3A_116 : vector<16xf32>
        %parallel_loop3A_121 = arith.mulf %parallel_loop3A_120, %parallel_loop3A_116 : vector<16xf32>
        %parallel_loop3A_122 = arith.constant 1.500000e+00 : f32
        %parallel_loop3A_123 = vector.broadcast %parallel_loop3A_122 : f32 to vector<16xf32>
        %parallel_loop3A_124 = arith.subf %parallel_loop3A_123, %parallel_loop3A_121 : vector<16xf32>
        %parallel_loop3A_125 = arith.mulf %parallel_loop3A_116, %parallel_loop3A_124 : vector<16xf32>
        %parallel_loop3A_126 = arith.mulf %parallel_loop3A_99, %parallel_loop3A_125 : vector<16xf32>
        %parallel_loop3A_127 = arith.constant 9.99999993E-9 : f32
        %parallel_loop3A_128 = vector.broadcast %parallel_loop3A_127 : f32 to vector<16xf32>
        %parallel_loop3A_129 = arith.addf %parallel_loop3A_126, %parallel_loop3A_128 : vector<16xf32>
        %parallel_loop3A_130 = arith.constant 1.000000e+00 : f32
        %parallel_loop3A_131 = vector.broadcast %parallel_loop3A_130 : f32 to vector<16xf32>
        %parallel_loop3A_132 = arith.divf %parallel_loop3A_131, %parallel_loop3A_129 : vector<16xf32>
        %parallel_loop3A_133 = arith.mulf %parallel_loop3A_78, %parallel_loop3A_132 : vector<16xf32>
        %parallel_loop3A_134 = arith.index_cast %parallel_loop3A_75 : i32 to index
        %parallel_loop3A_135 = arith.constant 0 : index
        %parallel_loop3A_136 = tpu.vector_load %arg9[%parallel_loop3A_134, %parallel_loop3A_135] {strides = array<i32>} : memref<128x64xf32, #tpu.memory_space<vmem>>, vector<16xf32>,
        tpu.vector_store %arg9[%parallel_loop3A_134, %parallel_loop3A_135], %parallel_loop3A_133 {strides = array<i32>} : memref<128x64xf32, #tpu.memory_space<vmem>>, vector<16xf32>,
        %parallel_loop3A_137 = arith.mulf %parallel_loop3A_81, %parallel_loop3A_132 : vector<16xf32>
        %parallel_loop3A_138 = arith.index_cast %parallel_loop3A_75 : i32 to index
        %parallel_loop3A_139 = arith.constant 16 : index
        %parallel_loop3A_140 = tpu.vector_load %arg9[%parallel_loop3A_138, %parallel_loop3A_139] {strides = array<i32>} : memref<128x64xf32, #tpu.memory_space<vmem>>, vector<16xf32>,
        tpu.vector_store %arg9[%parallel_loop3A_138, %parallel_loop3A_139], %parallel_loop3A_137 {strides = array<i32>} : memref<128x64xf32, #tpu.memory_space<vmem>>, vector<16xf32>,
        %parallel_loop3A_141 = arith.mulf %parallel_loop3A_84, %parallel_loop3A_132 : vector<16xf32>
        %parallel_loop3A_142 = arith.index_cast %parallel_loop3A_75 : i32 to index
        %parallel_loop3A_143 = arith.constant 32 : index
        %parallel_loop3A_144 = tpu.vector_load %arg9[%parallel_loop3A_142, %parallel_loop3A_143] {strides = array<i32>} : memref<128x64xf32, #tpu.memory_space<vmem>>, vector<16xf32>,
        tpu.vector_store %arg9[%parallel_loop3A_142, %parallel_loop3A_143], %parallel_loop3A_141 {strides = array<i32>} : memref<128x64xf32, #tpu.memory_space<vmem>>, vector<16xf32>,
        %parallel_loop3A_145 = arith.mulf %parallel_loop3A_87, %parallel_loop3A_132 : vector<16xf32>
        %parallel_loop3A_146 = arith.index_cast %parallel_loop3A_75 : i32 to index
        %parallel_loop3A_147 = arith.constant 48 : index
        %parallel_loop3A_148 = tpu.vector_load %arg9[%parallel_loop3A_146, %parallel_loop3A_147] {strides = array<i32>} : memref<128x64xf32, #tpu.memory_space<vmem>>, vector<16xf32>,
        tpu.vector_store %arg9[%parallel_loop3A_146, %parallel_loop3A_147], %parallel_loop3A_145 {strides = array<i32>} : memref<128x64xf32, #tpu.memory_space<vmem>>, vector<16xf32>,
      } {sc.loop_unroll_factor = 4 : i64, sc.parallel_access}
      %mul3A_68 = arith.constant 128 : i32
      %mul3A_69 = arith.muli %add3A_46, %mul3A_68 : i32
      %add3A_70 = arith.addi %mul3A_2, %mul3A_69 : i32
      %dma_start3A_71 = arith.constant 0 : i32
      %dma_start3A_72 = tpu.memref_slice %arg4[%add3A_70, %dma_start3A_71] : memref<204800x64xf32, #tpu.memory_space<hbm>> -> memref<128x64xf32, #tpu.memory_space<hbm>>
      %dma_start3A_73 = arith.constant 0 : i32
      %dma_start3A_74 = tpu.memref_slice %arg4[%add3A_70, %dma_start3A_73] : memref<204800x64xf32, #tpu.memory_space<hbm>> -> memref<128x64xf32, #tpu.memory_space<hbm>>
      tpu.enqueue_dma source(%arg9 : memref<128x64xf32, #tpu.memory_space<vmem>>) target(%dma_start3A_74 : memref<128x64xf32, #tpu.memory_space<hbm>>) target_semaphore(%arg13 : memref<!tpu.dma_semaphore, #tpu.memory_space<semaphore_mem>>)
    }
    %scan3A_13 = arith.constant 25 : i32
    %dma_wait3A = arith.constant 0 : i32
    %dma_wait3A_14 = arith.constant 0 : i32
    %dma_wait3A_15 = tpu.memref_slice %arg4[%dma_wait3A, %dma_wait3A_14] : memref<204800x64xf32, #tpu.memory_space<hbm>> -> memref<128x64xf32, #tpu.memory_space<hbm>>
    %dma_wait3A_16 = arith.constant 0 : i32
    %dma_wait3A_17 = arith.constant 0 : i32
    %dma_wait3A_18 = tpu.memref_slice %arg4[%dma_wait3A_16, %dma_wait3A_17] : memref<204800x64xf32, #tpu.memory_space<hbm>> -> memref<128x64xf32, #tpu.memory_space<hbm>>
    tpu.wait_dma2 semaphore(%arg13 : memref<!tpu.dma_semaphore, #tpu.memory_space<semaphore_mem>>) src(%arg9 : memref<128x64xf32, #tpu.memory_space<vmem>>) dst(%dma_wait3A_18 : memref<128x64xf32, #tpu.memory_space<hbm>>)
    return
  }
}

</mosaic_0001>

<sc_bundles>
// kernel: _embed_norm.3.cloned.1.call-start
scs
__scs_entry_jumppad:
0x0: {  	(pc) =	sbr.rel $0x88, $3  }
0x1: {  	(tag) =	ssettag $0x0;
	lr =	simm.s32 $0x1  }
0x2: {  	[smem:$0x3F9F] =	sst lr;
	_ =	strace $0xD0000000  }
0x3: {  	_ = 	snop  }
0x4: {  	_ = 	snop  }
0x5: {  	_ = 	snop  }
0x6: {  	_ = 	snop  }
0x7: {  	_ = 	snop  }
__scs_overlays_trampoline_lowered:
0x8: {  	[smem:$0x3FAE] =	sst s0  }
0x9: {  	[smem:$0x3FAF] =	sst s1  }
0xa: {  	[smem:$0x3FB0] =	sst s2  }
0xb: {  	[smem:$0x3FB1] =	sst s3  }
0xc: {  	[smem:$0x3FB2] =	sst s4  }
0xd: {  	[smem:$0x3FB3] =	sst s5  }
0xe: {  	[smem:$0x3FB4] =	sst s6  }
0xf: {  	[smem:$0x3FB5] =	sst s7  }
0x10: {  	[smem:$0x3FB6] =	sst s8  }
0x11: {  	[smem:$0x3FB7] =	sst s9;
	s0 =	simm.s32 @!p0 $0x0  }
0x12: {  	s1 =	sld [smem:$0x3F9D];
	s0 =	simm.s32 @p0 $0x1  }
0x13: {  	[smem:$0x3FB8] =	sst s0;
	s0 =	simm.s32 @!p1 $0x0  }
0x14: {  	s2 =	sld [smem:$0x3F9C];
	s0 =	simm.s32 @p1 $0x1  }
0x15: {  	[smem:$0x3FB9] =	sst s0;
	s0 =	simm.s32 @!p2 $0x0  }
0x16: {  	s3 =	sld [smem:$0x3FDB];
	s0 =	simm.s32 @p2 $0x1  }
0x17: {  	s4 =	simm.s32 $0x1BF5;
	[smem:$0x3FBB] =	sst s0  }
0x18: {  	s0 =	sld [smem:$0x3F9E];
	_ =	swait.ge [sflag:s4], $0x0  }
0x19: {  	s7 =	sld [smem:$0x3F9F]  }
0x1a: {  	s8 =	sadd.s32 $0xFFFFE003, lr  }
0x1b: {  	s9 =	sadd.s32 $0xFFFFFEF7, lr;
	s5 =	simm.s32 $0xFFFFFFFF;
	p2 =	slt.u32 s8, $0xFFFFF086  }
0x1c: {  	p1 =	slt.u32 s9, $0xF7A;
	s5 =	simm.s32 @!p2 $0x0  }
0x1d: {  	s5 =	simm.s32 @p1 $0x1;
	p0 =	seq.s32 s7, s2  }
0x1e: {  	s7 =	smul.u32 @!p0 $0xF7A, s2;
	p2 =	seq.s32 @!p0 s5, $0x0  }
0x1f: {  	s9 =	smul.u32 $0xF7A, s1;
	s8 =	simm.s32 @!p0 $0x1BF5;
	p2 =	por !p2, p0  }
0x20: {  	[sflag:s8] =	ssyncset.s32 @!p0 $0xFFFFF086;
	s6 =	sadd.s32 @!p0 s3, s7;
	s7 =	simm.s32 @!p0 $0x108  }
0x21: {  	s3 =	sadd.s32 s3, s9;
	s6 =	sadd.s32 @!p0 $0x88, s6;
	s7 =	simm.s32 @p2 $0x1082  }
0x22: {  	[simem:s7], [sflag:s8] =	dma.local @!p0 [hbm:s6], $0xF7A  }
0x23: {  	s9 =	sor.u32 $0xD0000000, s2;
	s6 =	simm.s32 $0x108;
	_ =	swait.ge @!p0 [sflag:s8], $0x0  }
0x24: {  	s3 =	sadd.s32 $0x88, s3;
	s6 =	simm.s32 @!p1 $0x1082;
	[sflag:s4] =	ssyncset.s32 $0xFFFFF086  }
0x25: {  	[simem:s6], [sflag:s4] =	dma.local [hbm:s3], $0xF7A  }
0x26: {  	[smem:$0x3F9F] =	sst s1;
	(tag) =	ssettag s2;
	_ =	strace s9  }
0x27: {  	s1 =	sld [smem:$0x3FAF]  }
0x28: {  	s2 =	sld [smem:$0x3FB0]  }
0x29: {  	s4 =	sld [smem:$0x3FB2]  }
0x2a: {  	p0 =	seq.s32 s5, $0x0;
	s5 =	sld [smem:$0x3FB3]  }
0x2b: {  	s6 =	sld [smem:$0x3FB4]  }
0x2c: {  	s7 =	sld [smem:$0x3FB5]  }
0x2d: {  	s3 =	simm.s32 $0x108;
	s8 =	sld [smem:$0x3FB6]  }
0x2e: {  	s3 =	simm.s32 @!p0 $0x1082;
	s9 =	sld [smem:$0x3FB7]  }
0x2f: {  	lr =	sadd.s32 s0, s3;
	s0 =	sld [smem:$0x3FAE]  }
0x30: {  	s3 =	sld [smem:$0x3FB1]  }
0x31: {  	[smem:$0x3FBA] =	sst s10  }
0x32: {  	s10 =	sld [smem:$0x3FB8];
	_ =	sdelay $0x3  }
0x33: {  	p0 =	seq.s32 s10, $0x1;
	s10 =	sld [smem:$0x3FBA];
	_ =	sdelay $0x3  }
0x34: {  	[smem:$0x3FBA] =	sst s10  }
0x35: {  	s10 =	sld [smem:$0x3FB9];
	_ =	sdelay $0x3  }
0x36: {  	p1 =	seq.s32 s10, $0x1;
	s10 =	sld [smem:$0x3FBA];
	_ =	sdelay $0x3  }
0x37: {  	[smem:$0x3FBA] =	sst s10  }
0x38: {  	s10 =	sld [smem:$0x3FBB]  }
0x39: {  	_ = 	snop;
	(pc) =	sbr.ind lr, $3  }
0x3a: {  	_ = 	snop  }
0x3b: {  	_ = 	snop  }
0x3c: {  	p2 =	seq.s32 s10, $0x1;
	s10 =	sld [smem:$0x3FBA]  }
0x3d: {  	_ =	shalt  }
0x3e: {  	_ =	shalt  }
0x3f: {  	_ =	shalt  }
0x40: {  	_ =	shalt  }
0x41: {  	_ =	shalt  }
0x42: {  	_ =	shalt  }
0x43: {  	_ =	shalt  }
0x44: {  	_ =	shalt  }
0x45: {  	_ =	shalt  }
0x46: {  	_ =	shalt  }
0x47: {  	_ =	shalt  }
0x48: {  	_ =	shalt  }
0x49: {  	_ =	shalt  }
0x4a: {  	_ =	shalt  }
0x4b: {  	_ =	shalt  }
0x4c: {  	_ =	shalt  }
0x4d: {  	_ =	shalt  }
0x4e: {  	_ =	shalt  }
0x4f: {  	_ =	shalt  }
0x50: {  	_ =	shalt  }
0x51: {  	_ =	shalt  }
0x52: {  	_ =	shalt  }
0x53: {  	_ =	shalt  }
0x54: {  	_ =	shalt  }
0x55: {  	_ =	shalt  }
0x56: {  	_ =	shalt  }
0x57: {  	_ =	shalt  }
0x58: {  	_ =	shalt  }
0x59: {  	_ =	shalt  }
0x5a: {  	_ =	shalt  }
0x5b: {  	_ =	shalt  }
0x5c: {  	_ =	shalt  }
0x5d: {  	_ =	shalt  }
0x5e: {  	_ =	shalt  }
0x5f: {  	_ =	shalt  }
0x60: {  	_ =	shalt  }
0x61: {  	_ =	shalt  }
0x62: {  	_ =	shalt  }
0x63: {  	_ =	shalt  }
0x64: {  	_ =	shalt  }
0x65: {  	_ =	shalt  }
0x66: {  	_ =	shalt  }
0x67: {  	_ =	shalt  }
0x68: {  	_ =	shalt  }
0x69: {  	_ =	shalt  }
0x6a: {  	_ =	shalt  }
0x6b: {  	_ =	shalt  }
0x6c: {  	_ =	shalt  }
0x6d: {  	_ =	shalt  }
0x6e: {  	_ =	shalt  }
0x6f: {  	_ =	shalt  }
0x70: {  	_ =	shalt  }
0x71: {  	_ =	shalt  }
0x72: {  	_ =	shalt  }
0x73: {  	_ =	shalt  }
0x74: {  	_ =	shalt  }
0x75: {  	_ =	shalt  }
0x76: {  	_ =	shalt  }
0x77: {  	_ =	shalt  }
0x78: {  	_ =	shalt  }
0x79: {  	_ =	shalt  }
0x7a: {  	_ =	shalt  }
0x7b: {  	_ =	shalt  }
0x7c: {  	_ =	shalt  }
0x7d: {  	_ =	shalt  }
0x7e: {  	_ =	shalt  }
0x7f: {  	_ =	shalt  }
0x80: {  	_ =	shalt  }
0x81: {  	_ =	shalt  }
0x82: {  	_ =	shalt  }
0x83: {  	_ =	shalt  }
0x84: {  	_ =	shalt  }
0x85: {  	_ =	shalt  }
0x86: {  	_ =	shalt  }
0x87: {  	_ =	shalt  }
.Lfunc_end0:
.L_simem_size_0:
called_computation.1_lowered:
.L_overlay_start_0:
0x88: {  	s2 =	sld [smem:$0x3FD9]  }
0x89: {  	s3 =	sld [smem:$0x3FFE];
	_ =	sdelay $0x1  }
0x8a: {  	s1 =	srdreg.scid  }
0x8b: {  	s0 =	sand.u32 $0x1, s1  }
0x8c: {  	s17 =	sshll.u32 s0, $0xA;
	s2 =	sadd.s32 s3, s2  }
0x8d: {  	s2 =	sadd.s32 s2, s17  }
0x8e: {  	[smem:$0x3FC6] =	sst s2  }
0x8f: {  	_ = 	snop  }
0x90: {  	s2 =	sld [smem:$0x3FD0];
	(tm) =	ssettm $0x1  }
0x91: {  	s18 =	sld [smem:$0x3FFB];
	_ =	sdelay $0x3  }
0x92: {  	_ =	strace s18  }
0x93: {  	s3 =	sld [smem:$0x3FFC];
	_ =	sdelay $0x3  }
0x94: {  	_ =	strace s3  }
0x95: {  	s3 =	sld [smem:$0x3FFD];
	_ =	sdelay $0x3  }
0x96: {  	_ =	strace s3  }
0x97: {  	_ =	strace $0x8FFFFFFF  }
0x98: {  	s19 =	sld [smem:$0x3FDB];
	_ =	sdelay $0x1  }
0x99: {  	s4 =	simm.s32 $_scs_section_size  }
0x9a: {  	s5 =	simm.s32 $_size__tile_overlayer_lowered;
	s6 =	simm.s32 $_tile_overlayer_lowered  }
0x9b: {  	s22 =	simm.s32 $0x1BFF;
	s21 =	sshll.u32 s6, $0x1;
	s3 =	sadd.s32 s4, s19  }
0x9c: {  	s7 =	simm.s32 $0x0;
	s20 =	sshll.u32 s5, $0x1;
	s5 =	sadd.s32 s21, s3  }
0x9d: {  	[timem:s7], [sflag:s22] =	dma.local [hbm:s5], s20  }
0x9e: {  	_ =	swait.ge [sflag:s22], s20  }
0x9f: {  	s4 =	ssub.s32 $0x0, s20;
	[sflag:s22] =	ssyncset.done $0x0  }
0xa0: {  	[sflag:s22] =	ssyncadd.s32 s4;
	_ =	sdelay $0x1  }
0xa1: {  	s23 =	simm.s32 $0x1B8B  }
0xa2: {  	_ =	swait.ge [sflag:s23], $0x1  }
0xa3: {  	[sflag:s23] =	ssyncset.done $0x0  }
0xa4: {  	s25 =	simm.s32 $0x1B8E;
	s24 =	sld [smem:$0x3FFE];
	[sflag:s23] =	ssyncadd.s32 $0xFFFFFFFF  }
0xa5: {  	s26 =	simm.s32 $execute0_lowered;
	[smem:$0x3FD2] =	sst s25  }
0xa6: {  	s5 =	sshll.u32 s26, $0x1;
	_ =	strace $0x80000046;
	[dreg:$0x1] =	wrdreg $0xFFFFFFFF  }
0xa7: {  	s28 =	simm.s32 $_size_execute0_lowered;
	s3 =	sadd.s32 s3, s5;
	[dreg:$0x0] =	wrdreg $0x0  }
0xa8: {  	s5 =	sshll.u32 s28, $0x1;
	[dreg:$0x2] =	wrdreg s3  }
0xa9: {  	[dreg:$0x3] =	wrdreg s5  }
0xaa: {  	[dreg:$0x4] =	wrdreg $0xC0  }
0xab: {  	_ =	task [dreg:s7], $0x5FFFF  }
0xac: {  	[dreg:$0x1] =	wrdreg $0xFFFFFFFF  }
0xad: {  	[dreg:$0x0] =	wrdreg $0x60  }
0xae: {  	[dreg:$0x2] =	wrdreg s24  }
0xaf: {  	[dreg:$0x3] =	wrdreg s2  }
0xb0: {  	[dreg:$0x4] =	wrdreg $0x9  }
0xb1: {  	_ =	task.clear_ibuf [dreg:s7], $0x5FFFF;
	_ =	strace $0x90000046  }
0xb2: {  	s29 =	simm.s32 $0x9;
	_ =	strace $0x80000048  }
0xb3: {  	_ =	swait.ge [sflag:s29], $0x1  }
0xb4: {  	[sflag:s29] =	ssyncadd.s32 $0xFFFFFFFF  }
0xb5: {  	_ =	strace $0x90000048  }
0xb6: {  	_ =	sfence  }
0xb7: {  	s30 =	sld [smem:$0x0];
	_ =	sdelay $0x2  }
0xb8: {  	s31 =	sshll.u32 s1, $0xD;
	s1 =	sshrl.u32 s1, $0x2  }
0xb9: {  	s3 =	sand.u32 $0x4000, s31;
	s1 =	sadd.s32 s1, s30  }
0xba: {  	s0 =	sor.u32 s3, s0;
	s1 =	sshll.u32 s1, $0x11  }
0xbb: {  	s0 =	sor.u32 s1, s0  }
0xbc: {  	s0 =	sadd.s32 $0x8F2B, s0  }
0xbd: {  	[sflag:s0] =	ssyncadd.remote.s32 $0x1  }
0xbe: {  	_ =	sfence.sel $0xFFFF  }
0xbf: {  	[dreg:$0x0] =	wrdreg $0xFFFFFFFF;
	(pc) =	sbr.abs _section_cstart, $3  }
0xc0: {  	[dreg:$0x1] =	wrdreg $0xFFFFFFFF  }
0xc1: {  	_ =	task.clear_ibuf [dreg:s7], $0x2FFFF;
	_ =	strace $0x9FFFFFFF  }
0xc2: {  	(tm) =	ssettm $0x7FFFFFFF  }
0xc3: {  	_ =	shalt  }
tec
execute0_lowered:
.L_overlay_start_1:
0x0: {  	(tag) =	ssettag $0x1  }
0x1: {  	s4 =	rddreg [dreg:$0x0];
	s1 =	srdreg.scid  }
0x2: {  	s0 =	stileid.u32;
	s2 =	rddreg [dreg:$0x1]  }
0x3: {  	s3 =	simm.s32 $0x0;
	s9 =	simm.s32 $0x80;
	s10 =	simm.s32 $0x1900  }
0x4: {  	s11 =	simm.s32 $0x3900;
	s12 =	simm.s32 $0x1;
	s13 =	simm.s32 $0x5900  }
0x5: {  	s14 =	simm.s32 $0x3;
	s15 =	simm.s32 $0x2;
	s16 =	simm.s32 $0x7900  }
0x6: {  	s17 =	simm.s32 $0x4;
	s5 =	sand.u32 $0x1, s1;
	s6 =	sshll.u32 s0, $0x1  }
0x7: {  	s18 =	simm.s32 $0x0;
	s1 =	rddreg [dreg:$0x2];
	s6 =	sor.u32 s5, s6  }
0x8: {  	[smem:$0x7FF] =	sst s3;
	s5 =	ssub.s32 $0x2, s5;
	s7 =	smul.u32 $0x320, s6  }
0x9: {  	_ =	strace $0x80000047;
	s8 =	sshrl.u32 s5, $0x1;
	s6 =	smul.u32 $0x64000, s6  }
0xa: {  	s8 =	ssub.s32 s5, s8;
	s7 =	sadd.s32 s7, s4;
	s4 =	sadd.s32 $0x1E85200, s4  }
0xb: {  	s5 =	sadd.s32 $0xA00, s7;
	s7 =	smax.u32 s8, $0x1;
	s8 =	simm.s32 $0x5  }
.LBB2_1:
0xc: {  	[tilespmem:s3], [sflag:$0x5] =	stream.linear.gather [hbm4b:s5+s3], $0x1900, $0x38;
	[tilespmem:$0x9900] =	vst v63  }
0xd: {  	_ =	swait.ge [sflag:s8], $0x1900  }
0xe: {  	[sflag:s8] =	ssyncset.done $0x0  }
0xf: {  	s19 =	simm.s32 $0x0;
	[sflag:s8] =	ssyncadd.s32 $0xFFFFE700  }
0x10: {  	[tilespmem:s10], [sflag:$0x1] =	stream.indirect.gather [hbm4b:s4+s9], $0x40, s3, s9, $0xb8;
	[tilespmem:$0x9900] =	vst v63  }
.LBB2_2:
0x11: {  	p0 =	seq.s32 s19, $0x0  }
0x12: {  	s20 =	sshll.u32 s19, $0x1;
	s21 =	simm.s32 @!p0 $0x4  }
0x13: {  	s20 =	sor.u32 $0x1, s20;
	_ =	swait.ge @!p0 [sflag:s21], $0x2000  }
0x14: {  	s22 =	sshll.u32 s20, $0x7;
	[sflag:s21] =	ssyncset.done @!p0 $0x0  }
0x15: {  	s29 =	sand.u32 $0x3FFFFF80, s22;
	[sflag:s21] =	ssyncadd.s32 @!p0 $0xFFFFE000  }
0x16: {  	[tilespmem:s11], [sflag:$0x2] =	stream.indirect.gather [hbm4b:s4+s9], $0x40, s29, s9, $0xb8;
	[tilespmem:$0x9900] =	vst v63  }
0x17: {  	_ =	swait.ge [sflag:s12], $0x2000  }
0x18: {  	[sflag:s12] =	ssyncset.done $0x0  }
0x19: {  	s30 =	simm.s32 $0x1980;
	[sflag:s12] =	ssyncadd.s32 $0xFFFFE000  }
0x1a: {  	v31 =	vld [tilespmem:s30+$0x40]  }
0x1b: {  	v30 =	vld [tilespmem:s30+$0x50]  }
0x1c: {  	v28 =	vld [tilespmem:s30+$0x60]  }
0x1d: {  	v27 =	vld [tilespmem:s30+$0x70];
	_ =	sdelay $0x1  }
0x1e: {  	v0 =	vld [tilespmem:s30+$0xFFFFFFC0]  }
0x1f: {  	v2 =	vld [tilespmem:s30+$0xFFFFFFD0]  }
0x20: {  	v5 =	vld [tilespmem:s30+$0xFFFFFFE0];
	v3 =	vmul.f32 v31, v31;
	v4 =	vmul.f32 v30, v30  }
0x21: {  	v1 =	vld [tilespmem:s30+$0xFFFFFFF0];
	v6 =	vmul.f32 v28, v28;
	v7 =	vmul.f32 v27, v27  }
0x22: {  	v9 =	vld [tilespmem:s30+$0xFFFFFF90]  }
0x23: {  	v10 =	vld [tilespmem:s30+$0xFFFFFFA0];
	v3 =	vadd.f32 v4, v3;
	v4 =	vadd.f32 v7, v6  }
0x24: {  	v32 =	vld [tilespmem:s30+$0xFFFFFF80]  }
0x25: {  	v8 =	vmul.f32 v0, v0;
	v11 =	vmul.f32 v2, v2;
	v7 =	vld [tilespmem:s30+$0xFFFFFFB0];
	v4 =	vadd.f32 v4, v3  }
0x26: {  	v6 =	vld [tilespmem:s30+$0x10]  }
0x27: {  	v12 =	vmul.f32 v5, v5;
	v13 =	vmul.f32 v1, v1;
	v11 =	vadd.f32 v11, v8;
	v8 =	vld [tilespmem:s30+$0x30];
	(xrf2) =	vadd.scan.msk.f32 $0xffff, v4  }
0x28: {  	v3 =	vld [tilespmem:s30+$0x0]  }
0x29: {  	v12 =	vadd.f32 v13, v12;
	v4 =	vld [tilespmem:s30+$0x20]  }
0x2a: {  	v14 =	vmul.f32 v9, v9;
	v15 =	vmul.f32 v32, v32  }
0x2b: {  	v11 =	vadd.f32 v12, v11;
	v12 =	vmul.f32 v10, v10;
	v13 =	vmul.f32 v7, v7  }
0x2c: {  	v14 =	vadd.f32 v14, v15  }
0x2d: {  	(xrf2) =	vadd.scan.msk.f32 $0xffff, v11;
	v16 =	vmul.f32 v8, v8;
	v11 =	vadd.f32 v13, v12;
	v12 =	vmul.f32 v3, v3  }
0x2e: {  	v13 =	vmul.f32 v6, v6;
	v15 =	vmul.f32 v4, v4  }
0x2f: {  	v11 =	vadd.f32 v11, v14  }
0x30: {  	v12 =	vadd.f32 v13, v12;
	v13 =	vadd.f32 v16, v15  }
0x31: {  	v14, _, _ =	vpop (xrf2)  }
0x32: {  	(xrf2) =	vadd.scan.msk.f32 $0xffff, v11;
	v11 =	vadd.f32 v13, v12;
	v19 =	vbroadcast v14, $0xF;
	_ =	sdelay $0x1  }
0x33: {  	(xrf2) =	vadd.scan.msk.f32 $0xffff, v11;
	v12 =	vshrl.u32 v19, $0x1  }
0x34: {  	v14 =	vmul.f32 $5.000000000e-01, v19  }
0x35: {  	v13 =	vsub.s32 $0x5F3759DF, v12  }
0x36: {  	s31 =	simm.s32 $0x1A80;
	v11 =	vmul.f32 v13, v14;
	v12, _, _ =	vpop (xrf2)  }
0x37: {  	v20 =	vld [tilespmem:s31+$0x70];
	v25 =	vbroadcast v12, $0xF  }
0x38: {  	v11 =	vmul.f32 v13, v11  }
0x39: {  	v12 =	vshrl.u32 v25, $0x1;
	v21 =	vmul.f32 $5.000000000e-01, v25  }
0x3a: {  	v11 =	vsub.f32 $1.500000000e+00, v11;
	v15 =	vsub.s32 $0x5F3759DF, v12  }
0x3b: {  	v12 =	vld [tilespmem:s31+$0x40];
	v16 =	vmul.f32 v15, v21  }
0x3c: {  	v37 =	vmul.f32 v20, v20;
	v17 =	vmul.f32 v13, v11;
	v13, _, _ =	vpop (xrf2)  }
0x3d: {  	v11 =	vld [tilespmem:s31+$0x50];
	v26 =	vbroadcast v13, $0xF;
	v22, _, _ =	vpop (xrf2);
	v16 =	vmul.f32 v15, v16  }
0x3e: {  	v13 =	vld [tilespmem:s31+$0x60];
	v14 =	vmul.f32 v17, v14;
	v33 =	vbroadcast v22, $0xF  }
0x3f: {  	v18 =	vshrl.u32 v26, $0x1;
	v23 =	vmul.f32 $5.000000000e-01, v26;
	v16 =	vsub.f32 $1.500000000e+00, v16  }
0x40: {  	v14 =	vmul.f32 v14, v17;
	v24 =	vsub.s32 $0x5F3759DF, v18;
	v34 =	vmul.f32 v12, v12  }
0x41: {  	v18 =	vmul.f32 v24, v23;
	v29 =	vmul.f32 v15, v16;
	v15 =	vld [tilespmem:s31+$0xFFFFFFC0]  }
0x42: {  	v35 =	vmul.f32 v11, v11;
	v22 =	vsub.f32 $1.500000000e+00, v14;
	v16 =	vshrl.u32 v33, $0x1;
	v14 =	vld [tilespmem:s31+$0xFFFFFFD0]  }
0x43: {  	v38 =	vmul.f32 $5.000000000e-01, v33;
	v36 =	vmul.f32 v13, v13;
	v40 =	vsub.s32 $0x5F3759DF, v16;
	v16 =	vld [tilespmem:s31+$0xFFFFFFE0]  }
0x44: {  	v39 =	vmul.f32 v24, v18;
	v34 =	vadd.f32 v35, v34;
	v18 =	vld [tilespmem:s31+$0xFFFFFF90];
	v41 =	vmul.f32 v22, v17  }
0x45: {  	v17 =	vld [tilespmem:s31+$0xFFFFFFF0];
	v50 =	vadd.f32 v37, v36;
	v51 =	vmul.f32 v29, v21;
	v21 =	vmul.f32 v40, v38  }
0x46: {  	v22 =	vld [tilespmem:s31+$0xFFFFFFA0];
	v52 =	vsub.f32 $1.500000000e+00, v39;
	v53 =	vmul.f32 v41, v19  }
0x47: {  	v34 =	vadd.f32 v50, v34;
	v54 =	vmul.f32 v40, v21;
	v19 =	vld [tilespmem:s31+$0xFFFFFFB0];
	v36 =	vmul.f32 v51, v29  }
0x48: {  	v21 =	vld [tilespmem:s31+$0xFFFFFF80];
	v55 =	vmul.f32 v15, v15;
	v24 =	vmul.f32 v24, v52  }
0x49: {  	v56 =	vmul.f32 v14, v14;
	(xrf2) =	vadd.scan.msk.f32 $0xffff, v34;
	v57 =	vmul.f32 v16, v16  }
0x4a: {  	v43 =	vmul.f32 v18, v18;
	v36 =	vsub.f32 $1.500000000e+00, v36;
	v23 =	vmul.f32 v24, v23  }
0x4b: {  	v35 =	vsub.f32 $1.500000000e+00, v54;
	v42 =	vmul.f32 v17, v17;
	v44 =	vmul.f32 v22, v22  }
0x4c: {  	v39 =	vadd.f32 $9.999999930e-09, v53;
	v29 =	vmul.f32 v36, v29;
	v23 =	vmul.f32 v23, v24  }
0x4d: {  	v37 =	vadd.f32 v56, v55;
	v58 =	vmul.f32 v19, v19;
	v61 =	vmul.f32 v21, v21  }
0x4e: {  	v34 =	vadd.f32 v42, v57;
	v60 =	vsub.f32 $1.500000000e+00, v23  }
0x4f: {  	v45 =	vmul.f32 v29, v25;
	v25 =	vld [tilespmem:s31+$0x30];
	v62 =	vadd.f32 v58, v44;
	v41 =	vadd.f32 v43, v61  }
0x50: {  	v35 =	vmul.f32 v40, v35;
	v34 =	vadd.f32 v34, v37;
	v23 =	vld [tilespmem:s31+$0x0];
	v40 =	vmul.f32 v60, v24  }
0x51: {  	(erf) = vrcp.f32 v39;
	v24 =	vld [tilespmem:s31+$0x10];
	v43 =	vadd.f32 v62, v41  }
0x52: {  	v59 =	vmul.f32 v35, v38;
	(xrf2) =	vadd.scan.msk.f32 $0xffff, v34;
	v42 =	vmul.f32 v40, v26;
	v26 =	vld [tilespmem:s31+$0x20]  }
0x53: {  	v44, _, _ =	vpop (xrf2);
	(xrf2) =	vadd.scan.msk.f32 $0xffff, v43  }
0x54: {  	v63 =	vmul.f32 v59, v35;
	_ =	sdelay $0x1  }
0x55: {  	v34 =	vsub.f32 $1.500000000e+00, v63;
	v56 =	vmul.f32 v25, v25;
	v46 =	vmul.f32 v23, v23  }
0x56: {  	v53 =	vmul.f32 v24, v24;
	v54 =	vmul.f32 v26, v26  }
0x57: {  	v34 =	vmul.f32 v34, v35  }
0x58: {  	v29 =	vbroadcast v44, $0xF;
	v36 =	vadd.f32 v53, v46;
	v59 =	vadd.f32 v56, v54  }
0x59: {  	v48 =	vadd.f32 $9.999999930e-09, v45;
	v47 =	vadd.f32 $9.999999930e-09, v42;
	v33 =	vmul.f32 v34, v33  }
0x5a: {  	v55 =	vpop (erf);
	v49 =	vshrl.u32 v29, $0x1;
	v50 =	vmul.f32 $5.000000000e-01, v29;
	v63 =	vadd.f32 v59, v36  }
0x5b: {  	v62 =	vmul.f32 v55, v30;
	(erf) = vrcp.f32 v47;
	v51 =	vsub.s32 $0x5F3759DF, v49;
	v57, _, _ =	vpop (xrf2)  }
0x5c: {  	(erf) = vrcp.f32 v48;
	v33 =	vadd.f32 $9.999999930e-09, v33;
	v52 =	vmul.f32 v51, v50;
	v30, _, _ =	vpop (xrf2);
	(xrf2) =	vadd.scan.msk.f32 $0xffff, v63;
	_ =	sdelay $0x1  }
0x5d: {  	(erf) = vrcp.f32 v33;
	v35 =	vmul.f32 v51, v52  }
0x5e: {  	v58 =	vmul.f32 v55, v27;
	v27 =	vbroadcast v57, $0xF  }
0x5f: {  	v31 =	vmul.f32 v55, v31;
	v60 =	vsub.f32 $1.500000000e+00, v35  }
0x60: {  	s22 =	simm.s32 $0x5980;
	v28 =	vmul.f32 v55, v28;
	v61 =	vshrl.u32 v27, $0x1;
	v37 =	vmul.f32 $5.000000000e-01, v27  }
0x61: {  	[tilespmem:s22+$0x70] =	vst v58;
	v38 =	vsub.s32 $0x5F3759DF, v61;
	v39 =	vmul.f32 v51, v60  }
0x62: {  	[tilespmem:s22+$0x40] =	vst v31;
	v35 =	vmul.f32 v38, v37  }
0x63: {  	[tilespmem:s22+$0x50] =	vst v62;
	v30 =	vbroadcast v30, $0xF;
	v34 =	vpop (erf);
	v40 =	vmul.f32 v39, v50  }
0x64: {  	s23 =	simm.s32 $0x4;
	s24 =	simm.s32 $0x1B80;
	s21 =	simm.s32 $0x5980;
	[tilespmem:s22+$0x60] =	vst v28;
	v33 =	vmul.f32 v34, v32;
	v28 =	vpop (erf);
	v35 =	vmul.f32 v38, v35  }
.LBB2_3:
0x65: {  	v31 =	vld [tilespmem:s24+$0x40];
	v36 =	vshrl.u32 v30, $0x1;
	v41 =	vmul.f32 $5.000000000e-01, v30;
	v40 =	vmul.f32 v40, v39;
	v42, _, _ =	vpop (xrf2)  }
0x66: {  	v32 =	vld [tilespmem:s24+$0x50];
	v36 =	vsub.s32 $0x5F3759DF, v36;
	v43 =	vsub.f32 $1.500000000e+00, v35;
	v42 =	vbroadcast v42, $0xF;
	[tilespmem:s22+$0xFFFFFF80] =	vst v33;
	v35 =	vpop (erf)  }
0x67: {  	v45 =	vmul.f32 v34, v9;
	v9 =	vmovc v18;
	v33 =	vld [tilespmem:s24+$0x60];
	v44 =	vmul.f32 v36, v41;
	v40 =	vsub.f32 $1.500000000e+00, v40  }
0x68: {  	s23 =	sadd.s32 $0x4, s23;
	v46 =	vld [tilespmem:s24+$0x70];
	v38 =	vmul.f32 v38, v43;
	v43 =	vshrl.u32 v42, $0x1;
	v47 =	vmul.f32 $5.000000000e-01, v42  }
0x69: {  	p0 =	slt.u32 s23, $0x7C;
	v18 =	vld [tilespmem:s24+$0xFFFFFF90];
	v44 =	vmul.f32 v36, v44;
	v43 =	vsub.s32 $0x5F3759DF, v43;
	v39 =	vmul.f32 v40, v39;
	[tilespmem:s22+$0xFFFFFF90] =	vst v45  }
0x6a: {  	v40 =	vld [tilespmem:s24+$0xFFFFFFA0];
	v37 =	vmul.f32 v38, v37;
	v45 =	vmul.f32 v43, v47  }
0x6b: {  	v48 =	vld [tilespmem:s24+$0xFFFFFFB0];
	v44 =	vsub.f32 $1.500000000e+00, v44;
	v29 =	vmul.f32 v39, v29;
	v39 =	vmul.f32 v34, v10;
	v10 =	vmovc v22  }
0x6c: {  	v56 =	vmul.f32 v31, v31;
	v50 =	vmul.f32 v32, v32;
	v49 =	vld [tilespmem:s24+$0xFFFFFFC0]  }
0x6d: {  	v52 =	vmul.f32 v33, v33;
	v51 =	vld [tilespmem:s24+$0xFFFFFFD0];
	v53 =	vmul.f32 v46, v46;
	v29 =	vadd.f32 $9.999999930e-09, v29;
	[tilespmem:s22+$0xFFFFFFA0] =	vst v39  }
0x6e: {  	v45 =	vmul.f32 v43, v45;
	v39 =	vmul.f32 v18, v18;
	v54 =	vld [tilespmem:s24+$0xFFFFFFE0]  }
0x6f: {  	v50 =	vadd.f32 v50, v56;
	v55 =	vld [tilespmem:s24+$0xFFFFFFF0];
	v52 =	vadd.f32 v53, v52;
	(erf) = vrcp.f32 v29;
	v22 =	vmovc v40  }
0x70: {  	v45 =	vsub.f32 $1.500000000e+00, v45;
	v29 =	vmul.f32 v40, v22;
	v40 =	vmul.f32 v48, v48;
	v53 =	vld [tilespmem:s24+$0x0]  }
0x71: {  	v44 =	vmul.f32 v36, v44;
	v56 =	vmul.f32 v49, v49;
	v57 =	vld [tilespmem:s24+$0x10];
	v50 =	vadd.f32 v52, v50  }
0x72: {  	v43 =	vmul.f32 v43, v45;
	v29 =	vadd.f32 v40, v29;
	v40 =	vmul.f32 v51, v51;
	v52 =	vld [tilespmem:s24+$0x20]  }
0x73: {  	v41 =	vmul.f32 v44, v41;
	v45 =	vmul.f32 v54, v54;
	v58 =	vld [tilespmem:s24+$0x30];
	(xrf2) =	vadd.scan.msk.f32 $0xffff, v50  }
0x74: {  	v47 =	vmul.f32 v43, v47;
	v36 =	vld [tilespmem:s24+$0xFFFFFF80];
	v50 =	vmul.f32 v55, v55;
	v40 =	vadd.f32 v40, v56  }
0x75: {  	v41 =	vmul.f32 v41, v44;
	v60 =	vmul.f32 v53, v53  }
0x76: {  	v37 =	vmul.f32 v37, v38;
	v45 =	vadd.f32 v50, v45;
	v50 =	vmul.f32 v57, v57  }
0x77: {  	v41 =	vsub.f32 $1.500000000e+00, v41;
	v47 =	vmul.f32 v47, v43;
	v59 =	vmul.f32 v52, v52  }
0x78: {  	v40 =	vadd.f32 v45, v40;
	v45 =	vmul.f32 v58, v58;
	v50 =	vadd.f32 v50, v60;
	v56 =	vpop (erf)  }
0x79: {  	v37 =	vsub.f32 $1.500000000e+00, v37;
	v60 =	vmul.f32 v36, v36;
	v61 =	vmul.f32 v56, v20;
	v20 =	vmovc v46  }
0x7a: {  	s22 =	sadd.s32 $0x100, s22;
	v45 =	vadd.f32 v45, v59;
	(xrf2) =	vadd.scan.msk.f32 $0xffff, v40;
	v40 =	vmul.f32 v41, v44;
	v41 =	vsub.f32 $1.500000000e+00, v47  }
0x7b: {  	v34 =	vmul.f32 v34, v7;
	v37 =	vmul.f32 v37, v38;
	v39 =	vadd.f32 v39, v60;
	[tilespmem:s22+$0x70] =	vst v61  }
0x7c: {  	v7 =	vmovc v19;
	v38 =	vadd.f32 v45, v50;
	v30 =	vmul.f32 v40, v30;
	v40 =	vmul.f32 v41, v43  }
0x7d: {  	v27 =	vmul.f32 v37, v27;
	v39 =	vadd.f32 v29, v39;
	v19, _, _ =	vpop (xrf2);
	[tilespmem:s21+$0xFFFFFFB0] =	vst v34;
	v34 =	vmul.f32 v28, v0  }
0x7e: {  	v0 =	vmovc v15;
	v29 =	vbroadcast v19, $0xF;
	v30 =	vadd.f32 $9.999999930e-09, v30;
	v37 =	vmul.f32 v40, v42;
	v19 =	vmovc v48  }
0x7f: {  	v27 =	vadd.f32 $9.999999930e-09, v27;
	v15 =	vmovc v49;
	v40 =	vmul.f32 v28, v5;
	(xrf2) =	vadd.scan.msk.f32 $0xffff, v39;
	v39 =	vmul.f32 v28, v2  }
0x80: {  	v2 =	vmovc v14;
	v14 =	vmovc v51;
	v42 =	vshrl.u32 v29, $0x1;
	v41 =	vmul.f32 $5.000000000e-01, v29;
	v37 =	vadd.f32 $9.999999930e-09, v37;
	[tilespmem:s21+$0xFFFFFFC0] =	vst v34  }
0x81: {  	v5 =	vmovc v16;
	v16 =	vmovc v54;
	v28 =	vmul.f32 v28, v1;
	v34 =	vsub.s32 $0x5F3759DF, v42;
	(erf) = vrcp.f32 v30;
	[tilespmem:s21+$0xFFFFFFD0] =	vst v39  }
0x82: {  	v1 =	vmovc v17;
	v30 =	vmul.f32 v34, v41;
	(xrf2) =	vadd.scan.msk.f32 $0xffff, v38;
	(erf) = vrcp.f32 v27;
	[tilespmem:s21+$0xFFFFFFE0] =	vst v40  }
0x83: {  	v17 =	vmovc v55;
	v38 =	vmul.f32 v35, v6;
	[tilespmem:s21+$0xFFFFFFF0] =	vst v28;
	v28 =	vmul.f32 v35, v3;
	v3 =	vmov v23  }
0x84: {  	v23 =	vmov v53;
	v30 =	vmul.f32 v34, v30;
	v6, _, _ =	vpop (xrf2);
	(erf) = vrcp.f32 v37  }
0x85: {  	v27 =	vbroadcast v6, $0xF;
	[tilespmem:s21+$0x0] =	vst v28;
	v28 =	vmul.f32 v35, v4;
	v6 =	vmovc v24;
	v24 =	vmovc v57;
	v4 =	vmov v26  }
0x86: {  	v43 =	vmul.f32 v35, v8;
	v40 =	vmul.f32 v56, v12;
	v12 =	vmovc v31;
	v42 =	vsub.f32 $1.500000000e+00, v30;
	[tilespmem:s21+$0x10] =	vst v38  }
.Ltmp0:
0x87: {  	v35 =	vmul.f32 v56, v11;
	v11 =	vmovc v32;
	v26 =	vmovc v52;
	v31 =	vshrl.u32 v27, $0x1;
	v37 =	vmul.f32 $5.000000000e-01, v27;
	[tilespmem:s21+$0x20] =	vst v28;
	(pc) =	sbr.rel @p0 .LBB2_3-.Ltmp0, $4  }
0x88: {  	v32 =	vmul.f32 v56, v13;
	v13 =	vmovc v33;
	v38 =	vsub.s32 $0x5F3759DF, v31;
	v39 =	vmul.f32 v34, v42;
	[tilespmem:s21+$0x30] =	vst v43;
	s21 =	smov.u32 s22  }
0x89: {  	v8 =	vmov v25;
	v25 =	vmov v58;
	v31 =	vmul.f32 v38, v37;
	v30, _, _ =	vpop (xrf2);
	[tilespmem:s22+$0x40] =	vst v40  }
0x8a: {  	v30 =	vbroadcast v30, $0xF;
	v40 =	vmul.f32 v39, v41;
	[tilespmem:s22+$0x50] =	vst v35;
	v34 =	vpop (erf)  }
0x8b: {  	s24 =	sadd.s32 $0x100, s24;
	v35 =	vmul.f32 v38, v31;
	v33 =	vmul.f32 v34, v21;
	[tilespmem:s22+$0x60] =	vst v32;
	v28 =	vpop (erf);
	v21 =	vmov v36  }
0x8c: {  	v31 =	vmul.f32 v40, v39  }
0x8d: {  	v32 =	vshrl.u32 v30, $0x1;
	v36 =	vmul.f32 $5.000000000e-01, v30  }
0x8e: {  	v32 =	vsub.s32 $0x5F3759DF, v32;
	v31 =	vsub.f32 $1.500000000e+00, v31  }
0x8f: {  	v50 =	vmul.f32 v32, v36  }
0x90: {  	v41, _, _ =	vpop (xrf2);
	v31 =	vmul.f32 v31, v39  }
0x91: {  	v51 =	vbroadcast v41, $0xF;
	v40 =	vmul.f32 v32, v50  }
0x92: {  	v29 =	vmul.f32 v31, v29  }
0x93: {  	v41 =	vmul.f32 $5.000000000e-01, v51;
	v31 =	vshrl.u32 v51, $0x1;
	v40 =	vsub.f32 $1.500000000e+00, v40  }
0x94: {  	v31 =	vsub.s32 $0x5F3759DF, v31;
	v29 =	vadd.f32 $9.999999930e-09, v29  }
0x95: {  	v42 =	vmul.f32 v31, v41;
	v32 =	vmul.f32 v32, v40  }
0x96: {  	(erf) = vrcp.f32 v29  }
0x97: {  	v35 =	vsub.f32 $1.500000000e+00, v35;
	v29 =	vmul.f32 v31, v42;
	v36 =	vmul.f32 v32, v36;
	_ =	sdelay $0x1  }
0x98: {  	v35 =	vmul.f32 v38, v35;
	v29 =	vsub.f32 $1.500000000e+00, v29;
	v36 =	vmul.f32 v36, v32;
	_ =	sdelay $0x1  }
0x99: {  	v37 =	vmul.f32 v35, v37;
	v29 =	vmul.f32 v31, v29;
	v31 =	vsub.f32 $1.500000000e+00, v36;
	_ =	sdelay $0x1  }
0x9a: {  	v52 =	vmul.f32 v37, v35;
	v31 =	vmul.f32 v31, v32  }
0x9b: {  	v9 =	vmul.f32 v34, v9;
	v53 =	vmul.f32 v29, v41  }
0x9c: {  	v10 =	vmul.f32 v34, v10;
	v54 =	vpop (erf);
	v36 =	vsub.f32 $1.500000000e+00, v52;
	v30 =	vmul.f32 v31, v30  }
0x9d: {  	[tilespmem:s22+$0xFFFFFF90] =	vst v9;
	v55 =	vmul.f32 v53, v29;
	v56 =	vpop (erf)  }
0x9e: {  	[tilespmem:s22+$0xFFFFFFA0] =	vst v10;
	v9 =	vmul.f32 v56, v20;
	v20 =	vmul.f32 v36, v35;
	v10 =	vadd.f32 $9.999999930e-09, v30  }
0x9f: {  	s28 =	sadd.s32 $0x100, s22;
	v7 =	vmul.f32 v34, v7;
	v0 =	vmul.f32 v28, v0;
	[tilespmem:s22+$0xFFFFFF80] =	vst v33;
	v30 =	vsub.f32 $1.500000000e+00, v55  }
0xa0: {  	[tilespmem:s28+$0x70] =	vst v9;
	v9 =	vmul.f32 v20, v27;
	(erf) = vrcp.f32 v10  }
0xa1: {  	v2 =	vmul.f32 v28, v2;
	[tilespmem:s21+$0xFFFFFFB0] =	vst v7;
	v7 =	vmul.f32 v30, v29  }
0xa2: {  	v1 =	vmul.f32 v28, v1;
	[tilespmem:s21+$0xFFFFFFC0] =	vst v0;
	v0 =	vadd.f32 $9.999999930e-09, v9  }
0xa3: {  	[tilespmem:s21+$0xFFFFFFD0] =	vst v2;
	v3 =	vmul.f32 v54, v3;
	v2 =	vmul.f32 v7, v51  }
0xa4: {  	[tilespmem:s21+$0xFFFFFFF0] =	vst v1;
	v1 =	vmul.f32 v54, v4;
	(erf) = vrcp.f32 v0  }
0xa5: {  	[tilespmem:s21+$0x0] =	vst v3;
	v0 =	vmul.f32 v54, v6;
	v2 =	vadd.f32 $9.999999930e-09, v2  }
0xa6: {  	[tilespmem:s21+$0x20] =	vst v1;
	v3 =	vmul.f32 v56, v12  }
0xa7: {  	[tilespmem:s21+$0x10] =	vst v0;
	v0 =	vmul.f32 v54, v8  }
0xa8: {  	v1 =	vmul.f32 v56, v11;
	[tilespmem:s28+$0x40] =	vst v3  }
0xa9: {  	(erf) = vrcp.f32 v2;
	[tilespmem:s21+$0x30] =	vst v0;
	v0 =	vmul.f32 v56, v13;
	v2 =	vpop (erf)  }
0xaa: {  	[tilespmem:s28+$0x50] =	vst v1;
	v1 =	vmul.f32 v2, v21  }
0xab: {  	[tilespmem:s28+$0x60] =	vst v0;
	v0 =	vmul.f32 v2, v18  }
0xac: {  	[tilespmem:s28+$0xFFFFFF80] =	vst v1;
	v1 =	vmul.f32 v2, v22  }
0xad: {  	v5 =	vmul.f32 v28, v5;
	[tilespmem:s28+$0xFFFFFF90] =	vst v0;
	v3 =	vpop (erf)  }
0xae: {  	v0 =	vmul.f32 v2, v19;
	[tilespmem:s28+$0xFFFFFFA0] =	vst v1;
	v1 =	vmul.f32 v3, v15  }
0xaf: {  	[tilespmem:s21+$0xFFFFFFE0] =	vst v5  }
0xb0: {  	[tilespmem:s28+$0xFFFFFFB0] =	vst v0;
	v0 =	vmul.f32 v3, v14  }
0xb1: {  	v2 =	vmul.f32 v3, v16;
	[tilespmem:s28+$0xFFFFFFC0] =	vst v1  }
0xb2: {  	[tilespmem:s28+$0xFFFFFFD0] =	vst v0;
	v0 =	vmul.f32 v3, v17;
	v1 =	vpop (erf)  }
0xb3: {  	[tilespmem:s28+$0xFFFFFFE0] =	vst v2;
	v2 =	vmul.f32 v1, v23  }
0xb4: {  	[tilespmem:s28+$0xFFFFFFF0] =	vst v0;
	v0 =	vmul.f32 v1, v24  }
0xb5: {  	s29 =	sshll.u32 s19, $0xE;
	[tilespmem:s28+$0x0] =	vst v2;
	v2 =	vmul.f32 v1, v26  }
0xb6: {  	s21 =	sadd.s32 s6, s29;
	[tilespmem:s28+$0x10] =	vst v0;
	v0 =	vmul.f32 v1, v25  }
0xb7: {  	s21 =	sshrl.u32 s21, $0x3;
	[tilespmem:s28+$0x20] =	vst v2  }
0xb8: {  	p0 =	seq.s32 s19, $0x18;
	s21 =	sadd.s32 s2, s21;
	[tilespmem:s28+$0x30] =	vst v0  }
0xb9: {  	[hbm4b:s21+s3] =	stream.linear.scatter [tilespmem:s13], [sflag:$0x3], $0x2000, $0x38;
	[tilespmem:$0x9900] =	vst v63  }
0xba: {  	s21 =	sshll.u32 @!p0 s19, $0x8;
	_ =	swait.ge [sflag:s14], $0x2000  }
0xbb: {  	s23 =	simm.s32 @!p0 $0x1900;
	s21 =	sand.u32 @!p0 $0x3FFFFF00, s21;
	[sflag:s14] =	ssyncset.done $0x0  }
0xbc: {  	s22 =	simm.s32 @!p0 $0x80;
	s21 =	sadd.s32 @!p0 $0x100, s21;
	[sflag:s14] =	ssyncadd.s32 $0xFFFFE000  }
0xbd: {  	[tilespmem:s23], [sflag:$0x1] =	stream.indirect.gather @!p0 [hbm4b:s4+s22], $0x40, s21, s22, $0xb8;
	[tilespmem:$0x9900] =	vst v63  }
0xbe: {  	_ =	swait.ge [sflag:s15], $0x2000  }
0xbf: {  	[sflag:s15] =	ssyncset.done $0x0  }
0xc0: {  	s30 =	simm.s32 $0x3980;
	[sflag:s15] =	ssyncadd.s32 $0xFFFFE000  }
0xc1: {  	v31 =	vld [tilespmem:s30+$0x40]  }
0xc2: {  	v30 =	vld [tilespmem:s30+$0x50]  }
0xc3: {  	v28 =	vld [tilespmem:s30+$0x60]  }
0xc4: {  	v27 =	vld [tilespmem:s30+$0x70];
	_ =	sdelay $0x1  }
0xc5: {  	v0 =	vld [tilespmem:s30+$0xFFFFFFC0]  }
0xc6: {  	v2 =	vld [tilespmem:s30+$0xFFFFFFD0]  }
0xc7: {  	v5 =	vld [tilespmem:s30+$0xFFFFFFE0];
	v3 =	vmul.f32 v31, v31;
	v4 =	vmul.f32 v30, v30  }
0xc8: {  	v1 =	vld [tilespmem:s30+$0xFFFFFFF0];
	v6 =	vmul.f32 v28, v28;
	v7 =	vmul.f32 v27, v27  }
0xc9: {  	v9 =	vld [tilespmem:s30+$0xFFFFFF90]  }
0xca: {  	v10 =	vld [tilespmem:s30+$0xFFFFFFA0];
	v3 =	vadd.f32 v4, v3;
	v4 =	vadd.f32 v7, v6  }
0xcb: {  	v32 =	vld [tilespmem:s30+$0xFFFFFF80]  }
0xcc: {  	v8 =	vmul.f32 v0, v0;
	v11 =	vmul.f32 v2, v2;
	v7 =	vld [tilespmem:s30+$0xFFFFFFB0];
	v4 =	vadd.f32 v4, v3  }
0xcd: {  	v6 =	vld [tilespmem:s30+$0x10]  }
0xce: {  	v12 =	vmul.f32 v5, v5;
	v13 =	vmul.f32 v1, v1;
	v11 =	vadd.f32 v11, v8;
	v8 =	vld [tilespmem:s30+$0x30];
	(xrf2) =	vadd.scan.msk.f32 $0xffff, v4  }
0xcf: {  	v3 =	vld [tilespmem:s30+$0x0]  }
0xd0: {  	v12 =	vadd.f32 v13, v12;
	v4 =	vld [tilespmem:s30+$0x20]  }
0xd1: {  	v14 =	vmul.f32 v9, v9;
	v15 =	vmul.f32 v32, v32  }
0xd2: {  	v11 =	vadd.f32 v12, v11;
	v12 =	vmul.f32 v10, v10;
	v13 =	vmul.f32 v7, v7  }
0xd3: {  	v14 =	vadd.f32 v14, v15  }
0xd4: {  	(xrf2) =	vadd.scan.msk.f32 $0xffff, v11;
	v16 =	vmul.f32 v8, v8;
	v11 =	vadd.f32 v13, v12;
	v12 =	vmul.f32 v3, v3  }
0xd5: {  	v13 =	vmul.f32 v6, v6;
	v15 =	vmul.f32 v4, v4  }
0xd6: {  	v11 =	vadd.f32 v11, v14  }
0xd7: {  	v12 =	vadd.f32 v13, v12;
	v13 =	vadd.f32 v16, v15  }
0xd8: {  	v14, _, _ =	vpop (xrf2)  }
0xd9: {  	(xrf2) =	vadd.scan.msk.f32 $0xffff, v11;
	v11 =	vadd.f32 v13, v12;
	v19 =	vbroadcast v14, $0xF;
	_ =	sdelay $0x1  }
0xda: {  	(xrf2) =	vadd.scan.msk.f32 $0xffff, v11;
	v12 =	vshrl.u32 v19, $0x1;
	v14 =	vmul.f32 $5.000000000e-01, v19  }
0xdb: {  	v13 =	vsub.s32 $0x5F3759DF, v12  }
0xdc: {  	v11 =	vmul.f32 v13, v14  }
0xdd: {  	v12, _, _ =	vpop (xrf2)  }
0xde: {  	v25 =	vbroadcast v12, $0xF;
	v11 =	vmul.f32 v13, v11  }
0xdf: {  	s31 =	simm.s32 $0x3A80  }
0xe0: {  	v20 =	vld [tilespmem:s31+$0x70];
	v12 =	vshrl.u32 v25, $0x1;
	v21 =	vmul.f32 $5.000000000e-01, v25;
	v11 =	vsub.f32 $1.500000000e+00, v11  }
0xe1: {  	v15 =	vsub.s32 $0x5F3759DF, v12  }
0xe2: {  	v12 =	vld [tilespmem:s31+$0x40];
	v16 =	vmul.f32 v15, v21;
	v17 =	vmul.f32 v13, v11;
	v13, _, _ =	vpop (xrf2)  }
0xe3: {  	v11 =	vld [tilespmem:s31+$0x50];
	v26 =	vbroadcast v13, $0xF  }
0xe4: {  	v13 =	vld [tilespmem:s31+$0x60];
	v22, _, _ =	vpop (xrf2);
	v16 =	vmul.f32 v15, v16;
	v14 =	vmul.f32 v17, v14  }
0xe5: {  	v60 =	vmul.f32 v20, v20;
	v33 =	vbroadcast v22, $0xF;
	v18 =	vshrl.u32 v26, $0x1  }
0xe6: {  	v23 =	vmul.f32 $5.000000000e-01, v26;
	v16 =	vsub.f32 $1.500000000e+00, v16;
	v14 =	vmul.f32 v14, v17  }
0xe7: {  	v24 =	vsub.s32 $0x5F3759DF, v18;
	v57 =	vmul.f32 v12, v12;
	v61 =	vmul.f32 $5.000000000e-01, v33  }
0xe8: {  	v18 =	vmul.f32 v24, v23;
	v29 =	vmul.f32 v15, v16;
	v22 =	vsub.f32 $1.500000000e+00, v14;
	v15 =	vld [tilespmem:s31+$0xFFFFFFC0]  }
0xe9: {  	v58 =	vmul.f32 v11, v11;
	v16 =	vshrl.u32 v33, $0x1;
	v14 =	vld [tilespmem:s31+$0xFFFFFFD0];
	v59 =	vmul.f32 v13, v13  }
0xea: {  	v62 =	vmul.f32 v24, v18;
	v63 =	vsub.s32 $0x5F3759DF, v16;
	v16 =	vld [tilespmem:s31+$0xFFFFFFE0];
	v48 =	vmul.f32 v22, v17  }
0xeb: {  	v18 =	vld [tilespmem:s31+$0xFFFFFF90];
	v50 =	vmul.f32 v29, v21;
	v21 =	vmul.f32 v63, v61  }
0xec: {  	v34 =	vadd.f32 v58, v57;
	v17 =	vld [tilespmem:s31+$0xFFFFFFF0];
	v49 =	vadd.f32 v60, v59  }
0xed: {  	v22 =	vld [tilespmem:s31+$0xFFFFFFA0];
	v51 =	vsub.f32 $1.500000000e+00, v62;
	v52 =	vmul.f32 v48, v19;
	v53 =	vmul.f32 v63, v21  }
0xee: {  	v36 =	vmul.f32 v50, v29;
	v54 =	vmul.f32 v15, v15  }
0xef: {  	v34 =	vadd.f32 v49, v34;
	v19 =	vld [tilespmem:s31+$0xFFFFFFB0];
	v24 =	vmul.f32 v24, v51;
	v55 =	vmul.f32 v14, v14  }
0xf0: {  	v21 =	vld [tilespmem:s31+$0xFFFFFF80];
	v56 =	vmul.f32 v16, v16;
	v43 =	vmul.f32 v18, v18  }
0xf1: {  	(xrf2) =	vadd.scan.msk.f32 $0xffff, v34;
	v35 =	vsub.f32 $1.500000000e+00, v53;
	v36 =	vsub.f32 $1.500000000e+00, v36;
	v57 =	vmul.f32 v17, v17  }
0xf2: {  	v23 =	vmul.f32 v24, v23;
	v44 =	vmul.f32 v22, v22  }
0xf3: {  	v35 =	vmul.f32 v63, v35;
	v29 =	vmul.f32 v36, v29  }
0xf4: {  	v23 =	vmul.f32 v23, v24;
	v58 =	vmul.f32 v19, v19  }
0xf5: {  	v37 =	vadd.f32 v55, v54;
	v59 =	vmul.f32 v35, v61;
	v61 =	vmul.f32 v21, v21  }
0xf6: {  	v34 =	vadd.f32 v57, v56;
	v60 =	vsub.f32 $1.500000000e+00, v23  }
0xf7: {  	v45 =	vmul.f32 v29, v25;
	v25 =	vld [tilespmem:s31+$0x30];
	v62 =	vadd.f32 v58, v44;
	v41 =	vadd.f32 v43, v61  }
0xf8: {  	v39 =	vadd.f32 $9.999999930e-09, v52;
	v34 =	vadd.f32 v34, v37;
	v23 =	vld [tilespmem:s31+$0x0];
	v40 =	vmul.f32 v60, v24  }
0xf9: {  	v24 =	vld [tilespmem:s31+$0x10];
	v43 =	vadd.f32 v62, v41  }
0xfa: {  	(erf) = vrcp.f32 v39;
	(xrf2) =	vadd.scan.msk.f32 $0xffff, v34;
	v42 =	vmul.f32 v40, v26;
	v26 =	vld [tilespmem:s31+$0x20]  }
0xfb: {  	v44, _, _ =	vpop (xrf2);
	(xrf2) =	vadd.scan.msk.f32 $0xffff, v43  }
0xfc: {  	v63 =	vmul.f32 v59, v35;
	_ =	sdelay $0x1  }
0xfd: {  	v34 =	vsub.f32 $1.500000000e+00, v63;
	v56 =	vmul.f32 v25, v25;
	v46 =	vmul.f32 v23, v23  }
0xfe: {  	v53 =	vmul.f32 v24, v24;
	v54 =	vmul.f32 v26, v26  }
0xff: {  	v34 =	vmul.f32 v34, v35  }
0x100: {  	v29 =	vbroadcast v44, $0xF;
	v36 =	vadd.f32 v53, v46;
	v59 =	vadd.f32 v56, v54  }
0x101: {  	v48 =	vadd.f32 $9.999999930e-09, v45;
	v47 =	vadd.f32 $9.999999930e-09, v42;
	v33 =	vmul.f32 v34, v33  }
0x102: {  	v55 =	vpop (erf);
	v49 =	vshrl.u32 v29, $0x1;
	v50 =	vmul.f32 $5.000000000e-01, v29;
	v63 =	vadd.f32 v59, v36  }
0x103: {  	v62 =	vmul.f32 v55, v30;
	(erf) = vrcp.f32 v47;
	v51 =	vsub.s32 $0x5F3759DF, v49;
	v57, _, _ =	vpop (xrf2)  }
0x104: {  	(erf) = vrcp.f32 v48;
	v33 =	vadd.f32 $9.999999930e-09, v33;
	v52 =	vmul.f32 v51, v50;
	v30, _, _ =	vpop (xrf2);
	(xrf2) =	vadd.scan.msk.f32 $0xffff, v63;
	_ =	sdelay $0x1  }
0x105: {  	(erf) = vrcp.f32 v33;
	v35 =	vmul.f32 v51, v52  }
0x106: {  	v58 =	vmul.f32 v55, v27;
	v27 =	vbroadcast v57, $0xF  }
0x107: {  	v31 =	vmul.f32 v55, v31;
	v60 =	vsub.f32 $1.500000000e+00, v35  }
0x108: {  	s22 =	simm.s32 $0x7980;
	v28 =	vmul.f32 v55, v28;
	v61 =	vshrl.u32 v27, $0x1;
	v37 =	vmul.f32 $5.000000000e-01, v27  }
0x109: {  	[tilespmem:s22+$0x70] =	vst v58;
	v38 =	vsub.s32 $0x5F3759DF, v61;
	v39 =	vmul.f32 v51, v60  }
0x10a: {  	[tilespmem:s22+$0x40] =	vst v31;
	v35 =	vmul.f32 v38, v37  }
0x10b: {  	[tilespmem:s22+$0x50] =	vst v62;
	v30 =	vbroadcast v30, $0xF;
	v34 =	vpop (erf);
	v40 =	vmul.f32 v39, v50  }
0x10c: {  	s24 =	simm.s32 $0x3B80;
	s23 =	simm.s32 $0x4;
	s21 =	simm.s32 $0x7980;
	[tilespmem:s22+$0x60] =	vst v28;
	v33 =	vmul.f32 v34, v32;
	v28 =	vpop (erf);
	v35 =	vmul.f32 v38, v35  }
.LBB2_5:
0x10d: {  	v31 =	vld [tilespmem:s24+$0x40];
	v36 =	vshrl.u32 v30, $0x1;
	v41 =	vmul.f32 $5.000000000e-01, v30;
	v40 =	vmul.f32 v40, v39;
	v42, _, _ =	vpop (xrf2)  }
0x10e: {  	v32 =	vld [tilespmem:s24+$0x50];
	v36 =	vsub.s32 $0x5F3759DF, v36;
	v43 =	vsub.f32 $1.500000000e+00, v35;
	v42 =	vbroadcast v42, $0xF;
	[tilespmem:s22+$0xFFFFFF80] =	vst v33;
	v35 =	vpop (erf)  }
0x10f: {  	v45 =	vmul.f32 v34, v9;
	v9 =	vmovc v18;
	v33 =	vld [tilespmem:s24+$0x60];
	v44 =	vmul.f32 v36, v41;
	v40 =	vsub.f32 $1.500000000e+00, v40  }
0x110: {  	s23 =	sadd.s32 $0x4, s23;
	v46 =	vld [tilespmem:s24+$0x70];
	v38 =	vmul.f32 v38, v43;
	v43 =	vshrl.u32 v42, $0x1;
	v47 =	vmul.f32 $5.000000000e-01, v42  }
0x111: {  	p0 =	slt.u32 s23, $0x7C;
	v18 =	vld [tilespmem:s24+$0xFFFFFF90];
	v44 =	vmul.f32 v36, v44;
	v43 =	vsub.s32 $0x5F3759DF, v43;
	v39 =	vmul.f32 v40, v39;
	[tilespmem:s22+$0xFFFFFF90] =	vst v45  }
0x112: {  	v40 =	vld [tilespmem:s24+$0xFFFFFFA0];
	v37 =	vmul.f32 v38, v37;
	v45 =	vmul.f32 v43, v47  }
0x113: {  	v48 =	vld [tilespmem:s24+$0xFFFFFFB0];
	v44 =	vsub.f32 $1.500000000e+00, v44;
	v29 =	vmul.f32 v39, v29;
	v39 =	vmul.f32 v34, v10;
	v10 =	vmovc v22  }
0x114: {  	v56 =	vmul.f32 v31, v31;
	v50 =	vmul.f32 v32, v32;
	v49 =	vld [tilespmem:s24+$0xFFFFFFC0]  }
0x115: {  	v52 =	vmul.f32 v33, v33;
	v51 =	vld [tilespmem:s24+$0xFFFFFFD0];
	v53 =	vmul.f32 v46, v46;
	v29 =	vadd.f32 $9.999999930e-09, v29;
	[tilespmem:s22+$0xFFFFFFA0] =	vst v39  }
0x116: {  	v45 =	vmul.f32 v43, v45;
	v39 =	vmul.f32 v18, v18;
	v54 =	vld [tilespmem:s24+$0xFFFFFFE0]  }
0x117: {  	v50 =	vadd.f32 v50, v56;
	v55 =	vld [tilespmem:s24+$0xFFFFFFF0];
	v52 =	vadd.f32 v53, v52;
	(erf) = vrcp.f32 v29;
	v22 =	vmovc v40  }
0x118: {  	v45 =	vsub.f32 $1.500000000e+00, v45;
	v29 =	vmul.f32 v40, v22;
	v40 =	vmul.f32 v48, v48;
	v53 =	vld [tilespmem:s24+$0x0]  }
0x119: {  	v44 =	vmul.f32 v36, v44;
	v56 =	vmul.f32 v49, v49;
	v57 =	vld [tilespmem:s24+$0x10];
	v50 =	vadd.f32 v52, v50  }
0x11a: {  	v43 =	vmul.f32 v43, v45;
	v29 =	vadd.f32 v40, v29;
	v40 =	vmul.f32 v51, v51;
	v52 =	vld [tilespmem:s24+$0x20]  }
0x11b: {  	v41 =	vmul.f32 v44, v41;
	v45 =	vmul.f32 v54, v54;
	v58 =	vld [tilespmem:s24+$0x30];
	(xrf2) =	vadd.scan.msk.f32 $0xffff, v50  }
0x11c: {  	v47 =	vmul.f32 v43, v47;
	v36 =	vld [tilespmem:s24+$0xFFFFFF80];
	v50 =	vmul.f32 v55, v55;
	v40 =	vadd.f32 v40, v56  }
0x11d: {  	v41 =	vmul.f32 v41, v44;
	v60 =	vmul.f32 v53, v53  }
0x11e: {  	v37 =	vmul.f32 v37, v38;
	v45 =	vadd.f32 v50, v45;
	v50 =	vmul.f32 v57, v57  }
0x11f: {  	v41 =	vsub.f32 $1.500000000e+00, v41;
	v47 =	vmul.f32 v47, v43;
	v59 =	vmul.f32 v52, v52  }
0x120: {  	v40 =	vadd.f32 v45, v40;
	v45 =	vmul.f32 v58, v58;
	v50 =	vadd.f32 v50, v60;
	v56 =	vpop (erf)  }
0x121: {  	v37 =	vsub.f32 $1.500000000e+00, v37;
	v60 =	vmul.f32 v36, v36;
	v61 =	vmul.f32 v56, v20;
	v20 =	vmovc v46  }
0x122: {  	s22 =	sadd.s32 $0x100, s22;
	v45 =	vadd.f32 v45, v59;
	(xrf2) =	vadd.scan.msk.f32 $0xffff, v40;
	v40 =	vmul.f32 v41, v44;
	v41 =	vsub.f32 $1.500000000e+00, v47  }
0x123: {  	v34 =	vmul.f32 v34, v7;
	v37 =	vmul.f32 v37, v38;
	v39 =	vadd.f32 v39, v60;
	[tilespmem:s22+$0x70] =	vst v61  }
0x124: {  	v7 =	vmovc v19;
	v38 =	vadd.f32 v45, v50;
	v30 =	vmul.f32 v40, v30;
	v40 =	vmul.f32 v41, v43  }
0x125: {  	v27 =	vmul.f32 v37, v27;
	v39 =	vadd.f32 v29, v39;
	v19, _, _ =	vpop (xrf2);
	[tilespmem:s21+$0xFFFFFFB0] =	vst v34;
	v34 =	vmul.f32 v28, v0  }
0x126: {  	v0 =	vmovc v15;
	v29 =	vbroadcast v19, $0xF;
	v30 =	vadd.f32 $9.999999930e-09, v30;
	v37 =	vmul.f32 v40, v42;
	v19 =	vmovc v48  }
0x127: {  	v27 =	vadd.f32 $9.999999930e-09, v27;
	v15 =	vmovc v49;
	v40 =	vmul.f32 v28, v5;
	(xrf2) =	vadd.scan.msk.f32 $0xffff, v39;
	v39 =	vmul.f32 v28, v2  }
0x128: {  	v2 =	vmovc v14;
	v14 =	vmovc v51;
	v42 =	vshrl.u32 v29, $0x1;
	v41 =	vmul.f32 $5.000000000e-01, v29;
	v37 =	vadd.f32 $9.999999930e-09, v37;
	[tilespmem:s21+$0xFFFFFFC0] =	vst v34  }
0x129: {  	v5 =	vmovc v16;
	v16 =	vmovc v54;
	v28 =	vmul.f32 v28, v1;
	v34 =	vsub.s32 $0x5F3759DF, v42;
	(erf) = vrcp.f32 v30;
	[tilespmem:s21+$0xFFFFFFD0] =	vst v39  }
0x12a: {  	v1 =	vmovc v17;
	v30 =	vmul.f32 v34, v41;
	(xrf2) =	vadd.scan.msk.f32 $0xffff, v38;
	(erf) = vrcp.f32 v27;
	[tilespmem:s21+$0xFFFFFFE0] =	vst v40  }
0x12b: {  	v17 =	vmovc v55;
	v38 =	vmul.f32 v35, v6;
	[tilespmem:s21+$0xFFFFFFF0] =	vst v28;
	v28 =	vmul.f32 v35, v3;
	v3 =	vmov v23  }
0x12c: {  	v23 =	vmov v53;
	v30 =	vmul.f32 v34, v30;
	v6, _, _ =	vpop (xrf2);
	(erf) = vrcp.f32 v37  }
0x12d: {  	v27 =	vbroadcast v6, $0xF;
	[tilespmem:s21+$0x0] =	vst v28;
	v28 =	vmul.f32 v35, v4;
	v6 =	vmovc v24;
	v24 =	vmovc v57;
	v4 =	vmov v26  }
0x12e: {  	v43 =	vmul.f32 v35, v8;
	v40 =	vmul.f32 v56, v12;
	v12 =	vmovc v31;
	v42 =	vsub.f32 $1.500000000e+00, v30;
	[tilespmem:s21+$0x10] =	vst v38  }
.Ltmp1:
0x12f: {  	v35 =	vmul.f32 v56, v11;
	v11 =	vmovc v32;
	v26 =	vmovc v52;
	v31 =	vshrl.u32 v27, $0x1;
	v37 =	vmul.f32 $5.000000000e-01, v27;
	[tilespmem:s21+$0x20] =	vst v28;
	(pc) =	sbr.rel @p0 .LBB2_5-.Ltmp1, $4  }
0x130: {  	v32 =	vmul.f32 v56, v13;
	v13 =	vmovc v33;
	v38 =	vsub.s32 $0x5F3759DF, v31;
	v39 =	vmul.f32 v34, v42;
	[tilespmem:s21+$0x30] =	vst v43;
	s21 =	smov.u32 s22  }
0x131: {  	v8 =	vmov v25;
	v25 =	vmov v58;
	v31 =	vmul.f32 v38, v37;
	v30, _, _ =	vpop (xrf2);
	[tilespmem:s22+$0x40] =	vst v40  }
0x132: {  	v30 =	vbroadcast v30, $0xF;
	v40 =	vmul.f32 v39, v41;
	[tilespmem:s22+$0x50] =	vst v35;
	v34 =	vpop (erf)  }
0x133: {  	s24 =	sadd.s32 $0x100, s24;
	v35 =	vmul.f32 v38, v31;
	v33 =	vmul.f32 v34, v21;
	[tilespmem:s22+$0x60] =	vst v32;
	v28 =	vpop (erf);
	v21 =	vmov v36  }
0x134: {  	v32 =	vshrl.u32 v30, $0x1;
	v36 =	vmul.f32 $5.000000000e-01, v30  }
0x135: {  	v32 =	vsub.s32 $0x5F3759DF, v32  }
0x136: {  	v51 =	vmul.f32 v32, v36  }
0x137: {  	v31 =	vmul.f32 v40, v39  }
0x138: {  	v40 =	vmul.f32 v32, v51  }
0x139: {  	v41, _, _ =	vpop (xrf2);
	v31 =	vsub.f32 $1.500000000e+00, v31  }
0x13a: {  	v52 =	vbroadcast v41, $0xF;
	v40 =	vsub.f32 $1.500000000e+00, v40  }
0x13b: {  	v31 =	vmul.f32 v31, v39  }
0x13c: {  	v53 =	vshrl.u32 v52, $0x1;
	v41 =	vmul.f32 $5.000000000e-01, v52;
	v32 =	vmul.f32 v32, v40  }
0x13d: {  	v35 =	vsub.f32 $1.500000000e+00, v35;
	v29 =	vmul.f32 v31, v29;
	v31 =	vsub.s32 $0x5F3759DF, v53  }
0x13e: {  	v42 =	vmul.f32 v31, v41;
	v36 =	vmul.f32 v32, v36  }
0x13f: {  	v35 =	vmul.f32 v38, v35  }
0x140: {  	v29 =	vadd.f32 $9.999999930e-09, v29;
	v54 =	vmul.f32 v31, v42;
	v36 =	vmul.f32 v36, v32  }
0x141: {  	v37 =	vmul.f32 v35, v37  }
0x142: {  	(erf) = vrcp.f32 v29;
	v29 =	vsub.f32 $1.500000000e+00, v54;
	v55 =	vsub.f32 $1.500000000e+00, v36  }
0x143: {  	v56 =	vmul.f32 v37, v35  }
0x144: {  	v29 =	vmul.f32 v31, v29;
	v31 =	vmul.f32 v55, v32  }
0x145: {  	v9 =	vmul.f32 v34, v9;
	v10 =	vmul.f32 v34, v10  }
0x146: {  	[tilespmem:s22+$0xFFFFFF80] =	vst v33;
	v36 =	vsub.f32 $1.500000000e+00, v56;
	v57 =	vmul.f32 v29, v41;
	v61 =	vmul.f32 v31, v30  }
0x147: {  	v0 =	vmul.f32 v28, v0;
	v2 =	vmul.f32 v28, v2;
	[tilespmem:s22+$0xFFFFFF90] =	vst v9  }
0x148: {  	[tilespmem:s22+$0xFFFFFFA0] =	vst v10;
	v63 =	vmul.f32 v36, v35;
	v59 =	vmul.f32 v57, v29;
	v35 =	vadd.f32 $9.999999930e-09, v61  }
0x149: {  	v5 =	vmul.f32 v28, v5;
	v1 =	vmul.f32 v28, v1;
	[tilespmem:s21+$0xFFFFFFC0] =	vst v0  }
0x14a: {  	v58 =	vpop (erf);
	[tilespmem:s21+$0xFFFFFFD0] =	vst v2;
	v38 =	vmul.f32 v63, v27;
	v36 =	vsub.f32 $1.500000000e+00, v59;
	(erf) = vrcp.f32 v35  }
0x14b: {  	v7 =	vmul.f32 v34, v7;
	[tilespmem:s21+$0xFFFFFFE0] =	vst v5  }
0x14c: {  	v3 =	vmul.f32 v58, v3;
	[tilespmem:s21+$0xFFFFFFF0] =	vst v1;
	v41 =	vadd.f32 $9.999999930e-09, v38;
	v40 =	vmul.f32 v36, v29  }
0x14d: {  	v43 =	vmul.f32 v58, v6;
	v44 =	vmul.f32 v58, v4;
	[tilespmem:s21+$0xFFFFFFB0] =	vst v7  }
0x14e: {  	[tilespmem:s21+$0x0] =	vst v3;
	v60 =	vpop (erf);
	v42 =	vmul.f32 v40, v52;
	(erf) = vrcp.f32 v41  }
0x14f: {  	v45 =	vmul.f32 v58, v8;
	[tilespmem:s21+$0x10] =	vst v43  }
0x150: {  	[tilespmem:s21+$0x20] =	vst v44;
	v62 =	vmul.f32 v60, v20;
	v2 =	vadd.f32 $9.999999930e-09, v42  }
0x151: {  	s31 =	sadd.s32 $0x100, s22;
	[tilespmem:s21+$0x30] =	vst v45;
	v46 =	vmul.f32 v60, v12  }
0x152: {  	v47 =	vmul.f32 v60, v11;
	[tilespmem:s31+$0x70] =	vst v62;
	(erf) = vrcp.f32 v2  }
0x153: {  	v48 =	vmul.f32 v60, v13;
	[tilespmem:s31+$0x40] =	vst v46;
	v49 =	vpop (erf)  }
0x154: {  	[tilespmem:s31+$0x50] =	vst v47;
	v50 =	vmul.f32 v49, v21  }
0x155: {  	[tilespmem:s31+$0x60] =	vst v48;
	v51 =	vmul.f32 v49, v18  }
0x156: {  	v52 =	vmul.f32 v49, v22;
	[tilespmem:s31+$0xFFFFFF80] =	vst v50  }
0x157: {  	v53 =	vpop (erf);
	v54 =	vmul.f32 v49, v19;
	[tilespmem:s31+$0xFFFFFF90] =	vst v51  }
0x158: {  	v55 =	vmul.f32 v53, v15;
	[tilespmem:s31+$0xFFFFFFA0] =	vst v52  }
0x159: {  	v56 =	vmul.f32 v53, v14;
	[tilespmem:s31+$0xFFFFFFB0] =	vst v54  }
0x15a: {  	v57 =	vmul.f32 v53, v16;
	[tilespmem:s31+$0xFFFFFFC0] =	vst v55  }
0x15b: {  	v59 =	vmul.f32 v53, v17;
	[tilespmem:s31+$0xFFFFFFD0] =	vst v56;
	v58 =	vpop (erf)  }
0x15c: {  	s19 =	sadd.s32 $0x1, s19;
	[tilespmem:s31+$0xFFFFFFE0] =	vst v57;
	v60 =	vmul.f32 v58, v23  }
0x15d: {  	p0 =	sne.s32 s19, $0x19;
	[tilespmem:s31+$0xFFFFFFF0] =	vst v59;
	v61 =	vmul.f32 v58, v24  }
.Ltmp2:
0x15e: {  	s20 =	sshll.u32 s20, $0xD;
	v62 =	vmul.f32 v58, v26;
	[tilespmem:s31+$0x0] =	vst v60;
	(pc) =	sbr.rel @p0 .LBB2_2-.Ltmp2, $4  }
0x15f: {  	s20 =	sadd.s32 s6, s20;
	v63 =	vmul.f32 v58, v25;
	[tilespmem:s31+$0x10] =	vst v61  }
0x160: {  	s20 =	sshrl.u32 s20, $0x3;
	[tilespmem:s31+$0x20] =	vst v62  }
0x161: {  	s20 =	sadd.s32 s2, s20;
	[tilespmem:s31+$0x30] =	vst v63  }
0x162: {  	[hbm4b:s20+s3] =	stream.linear.scatter [tilespmem:s16], [sflag:$0x4], $0x2000, $0x38;
	[tilespmem:$0x9900] =	vst v63  }
0x163: {  	s18 =	sadd.s32 $0x1, s18  }
0x164: {  	p0 =	sne.s32 s18, s7  }
.Ltmp3:
0x165: {  	_ = 	snop;
	(pc) =	sbr.rel @p0 .LBB2_1-.Ltmp3, $4  }
0x166: {  	_ = 	snop  }
0x167: {  	_ =	swait.ge [sflag:s17], $0x2000  }
0x168: {  	[sflag:s17] =	ssyncset.done $0x0  }
0x169: {  	[sflag:s17] =	ssyncadd.s32 $0xFFFFE000  }
0x16a: {  	_ =	sfence.sel $0x180000  }
0x16b: {  	[bflag:$0x0] =	sbarrier.arrive $0xFFFF  }
0x16c: {  	p0 =	sne.s32 s0, $0x0;
	_ =	strace $0x90000047  }
0x16d: {  	s0 =	sadd.s32 @!p0 $0x100000, s1;
	[bflag:$0x2] =	sbarrier.arrive $0xFFFF  }
0x16e: {  	[sflag:s0] =	ssyncadd.tile.s32 @!p0 $0x1;
	_ =	shalt  }
.Lfunc_end2:
_tile_overlayer_lowered:
.L_overlay_start_2:
0x16f: {  	(tag) =	ssettag $0x2  }
0x170: {  	s0 =	rddreg [dreg:$0x0];
	s2 =	stileid.u32  }
0x171: {  	s1 =	rddreg [dreg:$0x1];
	p0 =	sne.s32 s2, $0x0  }
0x172: {  	s3 =	rddreg [dreg:$0x2];
	[bflag:$0x3] =	sbarrier.arrive $0xFFFF;
	s2 =	simm.s32 @!p0 $0x1C05  }
0x173: {  	[timem:s3], [sflag:s2] =	dma.local @!p0 [hbm:s0], s1  }
0x174: {  	s0 =	simm.s32 @!p0 $0x5  }
0x175: {  	_ =	swait.ge @!p0 [sflag:s0], s1  }
0x176: {  	s1 =	ssub.s32 @!p0 $0x0, s1;
	[sflag:s0] =	ssyncset.done @!p0 $0x0  }
0x177: {  	[sflag:s0] =	ssyncadd.s32 @!p0 s1  }
0x178: {  	[bflag:$0x3] =	sbarrier.arrive $0xFFFF  }
0x179: {  	_ =	shalt  }

// kernel: sparse-core-data-format-call.cloned.1.call-start
scs
called_computation_lowered:
.L_overlay_start_0:
0x0: {  	s2 =	sld [smem:$0x3FD9]  }
0x1: {  	s3 =	sld [smem:$0x3FFE];
	_ =	sdelay $0x1  }
0x2: {  	s1 =	srdreg.scid  }
0x3: {  	s0 =	sand.u32 $0x1, s1  }
0x4: {  	s18 =	sshll.u32 s0, $0xA;
	s2 =	sadd.s32 s3, s2  }
0x5: {  	s2 =	sadd.s32 s2, s18  }
0x6: {  	[smem:$0x3FC6] =	sst s2  }
0x7: {  	_ = 	snop  }
0x8: {  	s2 =	sld [smem:$0x3FD0];
	(tm) =	ssettm $0x1  }
0x9: {  	s19 =	sld [smem:$0x3FFB];
	_ =	sdelay $0x3  }
0xa: {  	_ =	strace s19  }
0xb: {  	s3 =	sld [smem:$0x3FFC];
	_ =	sdelay $0x3  }
0xc: {  	_ =	strace s3  }
0xd: {  	s3 =	sld [smem:$0x3FFD];
	_ =	sdelay $0x3  }
0xe: {  	_ =	strace s3  }
0xf: {  	_ =	strace $0x8FFFFFFF  }
0x10: {  	s20 =	sld [smem:$0x3FDB];
	_ =	sdelay $0x1  }
0x11: {  	s4 =	simm.s32 $_scs_section_size  }
0x12: {  	s5 =	simm.s32 $_size__tile_overlayer_lowered;
	s6 =	simm.s32 $_tile_overlayer_lowered  }
0x13: {  	s23 =	simm.s32 $0x1BFF;
	s22 =	sshll.u32 s6, $0x1;
	s3 =	sadd.s32 s4, s20  }
0x14: {  	s7 =	simm.s32 $0x0;
	s21 =	sshll.u32 s5, $0x1;
	s5 =	sadd.s32 s22, s3  }
0x15: {  	[timem:s7], [sflag:s23] =	dma.local [hbm:s5], s21  }
0x16: {  	_ =	swait.ge [sflag:s23], s21  }
0x17: {  	s4 =	ssub.s32 $0x0, s21;
	[sflag:s23] =	ssyncset.done $0x0  }
0x18: {  	[sflag:s23] =	ssyncadd.s32 s4;
	_ =	sdelay $0x1  }
0x19: {  	s24 =	simm.s32 $0x1B8B  }
0x1a: {  	_ =	swait.ge [sflag:s24], $0x1  }
0x1b: {  	[sflag:s24] =	ssyncset.done $0x0  }
0x1c: {  	s26 =	simm.s32 $0x1B8E;
	s25 =	sld [smem:$0x3FFE];
	[sflag:s24] =	ssyncadd.s32 $0xFFFFFFFF  }
0x1d: {  	s27 =	simm.s32 $execute0_lowered;
	[smem:$0x3FD2] =	sst s26  }
0x1e: {  	s5 =	sshll.u32 s27, $0x1;
	_ =	strace $0x80000049;
	[dreg:$0x1] =	wrdreg $0xFFFFFFFF  }
0x1f: {  	s28 =	simm.s32 $_size_execute0_lowered;
	s3 =	sadd.s32 s3, s5;
	[dreg:$0x0] =	wrdreg $0x0  }
0x20: {  	s5 =	sshll.u32 s28, $0x1;
	[dreg:$0x2] =	wrdreg s3  }
0x21: {  	[dreg:$0x3] =	wrdreg s5  }
0x22: {  	[dreg:$0x4] =	wrdreg $0xC0  }
0x23: {  	_ =	task [dreg:s7], $0x5FFFF  }
0x24: {  	[dreg:$0x1] =	wrdreg $0xFFFFFFFF  }
0x25: {  	[dreg:$0x0] =	wrdreg $0x60  }
0x26: {  	[dreg:$0x2] =	wrdreg s25  }
0x27: {  	[dreg:$0x3] =	wrdreg s2  }
0x28: {  	[dreg:$0x4] =	wrdreg $0x9  }
0x29: {  	_ =	task.clear_ibuf [dreg:s7], $0x5FFFF;
	_ =	strace $0x90000049  }
0x2a: {  	s29 =	simm.s32 $0x9;
	_ =	strace $0x8000004B  }
0x2b: {  	_ =	swait.ge [sflag:s29], $0x1  }
0x2c: {  	[sflag:s29] =	ssyncadd.s32 $0xFFFFFFFF  }
0x2d: {  	_ =	strace $0x9000004B  }
0x2e: {  	_ =	sfence  }
0x2f: {  	s30 =	sld [smem:$0x0];
	_ =	sdelay $0x2  }
0x30: {  	s31 =	sshll.u32 s1, $0xD;
	s1 =	sshrl.u32 s1, $0x2  }
0x31: {  	s3 =	sand.u32 $0x4000, s31;
	s1 =	sadd.s32 s1, s30  }
0x32: {  	s0 =	sor.u32 s3, s0;
	s1 =	sshll.u32 s1, $0x11  }
0x33: {  	s0 =	sor.u32 s1, s0  }
0x34: {  	s0 =	sadd.s32 $0x8F2B, s0  }
0x35: {  	[sflag:s0] =	ssyncadd.remote.s32 $0x1  }
0x36: {  	_ =	sfence.sel $0xFFFF  }
0x37: {  	[dreg:$0x0] =	wrdreg $0xFFFFFFFF;
	(pc) =	sbr.abs _section_cstart, $3  }
0x38: {  	[dreg:$0x1] =	wrdreg $0xFFFFFFFF  }
0x39: {  	_ =	task.clear_ibuf [dreg:s7], $0x2FFFF;
	_ =	strace $0x9FFFFFFF  }
0x3a: {  	(tm) =	ssettm $0x7FFFFFFF  }
0x3b: {  	_ =	shalt  }
tec
execute0_lowered:
.L_overlay_start_1:
0x0: {  	(tag) =	ssettag $0x1  }
0x1: {  	s0 =	srdreg.scid  }
0x2: {  	s1 =	sshll.u32 s0, $0x4  }
0x3: {  	s4 =	rddreg [dreg:$0x0];
	s0 =	stileid.u32;
	s1 =	sand.u32 $0x10, s1  }
0x4: {  	s2 =	rddreg [dreg:$0x1];
	s7 =	simm.s32 $0x1;
	s1 =	sor.u32 s0, s1  }
0x5: {  	s8 =	simm.s32 $0x2;
	s11 =	simm.s32 $0x0;
	s3 =	sshll.u32 s1, $0x7  }
0x6: {  	s10 =	simm.s32 $0x0;
	s4 =	sadd.s32 $0xA00, s4;
	s6 =	ssub.s32 $0x32000, s3  }
.Ltmp0:
0x7: {  	s1 =	rddreg [dreg:$0x2];
	s5 =	sand.u32 $0xF80, s6;
	(pc) =	sbr.rel .LBB1_1-.Ltmp0, $4  }
0x8: {  	_ =	strace $0x8000004A;
	s9 =	smov.u32 s3;
	p0 =	sne.s32 s5, $0x0  }
0x9: {  	s6 =	sshrl.u32 s6, $0xC;
	s5 =	simm.s32 $0x1;
	s7 =	simm.s32 @!p0 $0x0  }
0xa: {  	[sflag:s5] =	ssyncpa.u1 $0x0;
	p0 =	por $0x0, $0x0;
	s6 =	sadd.s32 s7, s6  }
0xb: {  	[sflag:s8] =	ssyncpa.u1 $0x0;
	s8 =	simm.s32 $0x190000;
	s7 =	sadd.s32 $0x1, s6  }
.LBB1_4:
0xc: {  	s14 =	sshll.u32 s11, $0x3  }
0xd: {  	s30 =	sand.u32 $0x7F, s11;
	s15 =	sand.u32 $0xFFFFFC00, s14  }
0xe: {  	s11 =	sor.u32 s30, s15  }
0xf: {  	s15 =	smulhi.u32 $0x51EB851F, s11  }
0x10: {  	s14 =	smulhi.u32 $0x51EB851F, s14  }
0x11: {  	s15 =	sshrl.u32 s15, $0x10  }
0x12: {  	s14 =	sshrl.u32 s14, $0x10;
	s15 =	smul.u32 $0x32000, s15  }
0x13: {  	s14 =	sand.u32 $0x3F, s14  }
0x14: {  	s14 =	smul.u32 $0x6400, s14;
	s11 =	ssub.s32 s11, s15  }
0x15: {  	[tilespmem:s13+$0x810 ss:$0x81] =	vst.msk $0xffff, v2;
	s15 =	sand.u32 $0x7, s11  }
0x16: {  	[tilespmem:s13+$0x1020 ss:$0x81] =	vst.msk $0xffff, v0;
	s14 =	sadd.s32 s2, s14;
	s11 =	sshrl.u32 s11, $0x3;
	s15 =	sshll.u32 s15, $0x12  }
0x17: {  	[tilespmem:s13+$0x0 ss:$0x81] =	vst.msk $0xffff, v1;
	s11 =	sadd.s32 s11, s14;
	s31 =	sor.u32 $0x400, s15  }
0x18: {  	[hbm4b:s11+s31] =	stream.strided.scatter [tilespmem:s12], [sflag:$0x2], $0x2000, s8, s31, $0x20;
	[tilespmem:$0x8080] =	vst v63  }
.LBB1_5:
0x19: {  	s13 =	sadd.s32 $0x1000, s9  }
0x1a: {  	p2 =	sgt.s32 s13, $0x31FFF  }
0x1b: {  	s13 =	smov.u32 @p2 s3;
	p2 =	sne.s32 s10, s7  }
.Ltmp1:
0x1c: {  	p1 =	slt.u32 s10, $0x2;
	(pc) =	sbr.rel @!p2 .LBB1_6-.Ltmp1, $4  }
0x1d: {  	s12 =	simm.s32 @!p1 $0x2  }
0x1e: {  	s14 =	sadd.s32 $0x1, s10;
	_ =	swait.ge @!p1 [sflag:s12], $0x2000  }
0x1f: {  	s11 =	smov.u32 s9;
	p0 =	por !p0, !p0;
	[sflag:s12] =	ssyncset.done @!p1 $0x0  }
0x20: {  	s10 =	smov.u32 s14;
	s9 =	smov.u32 s13;
	[sflag:s12] =	ssyncadd.s32 @!p1 $0xFFFFE000  }
.LBB1_1:
0x21: {  	p1 =	sge.u32 s10, s6  }
0x22: {  	s12 =	sand.u32 @!p1 $0x1FFFFFF, s9  }
0x23: {  	s13 =	smulhi.u32 @!p1 $0x147AE15, s12;
	_ =	sdelay $0x1  }
0x24: {  	s13 =	sshrl.u32 @!p1 s13, $0xA  }
0x25: {  	s13 =	smul.u32 @!p1 $0x32000, s13;
	_ =	sdelay $0x1  }
0x26: {  	s31 =	sadd.s32 $0xFFFFFFFF, s10;
	s14 =	sxor.u32 @!p1 $0xFFFFFFFF, s10;
	s12 =	ssub.s32 @!p1 s12, s13  }
0x27: {  	s15 =	simm.s32 @!p1 $0x80;
	s14 =	sshll.u32 @!p1 s14, $0xD;
	s12 =	sshll.u32 @!p1 s12, $0x4  }
0x28: {  	s13 =	sand.u32 @!p1 $0x2000, s14;
	s14 =	simm.s32 @!p1 $0x40;
	s12 =	sadd.s32 @!p1 s4, s12  }
0x29: {  	[tilespmem:s13], [sflag:$0x1] =	stream.strided.gather @!p1 [hbm4b:s12+s14], $0x2000, s15, s14, $0x38;
	[tilespmem:$0x8080] =	vst v63  }
0x2a: {  	p1 =	sge.u32 s31, s6  }
.Ltmp2:
0x2b: {  	_ = 	snop;
	(pc) =	sbr.rel @p1 .LBB1_5-.Ltmp2, $1  }
0x2c: {  	_ =	sdelay $0x3  }
0x2d: {  	s12 =	simm.s32 $0x1  }
0x2e: {  	_ =	swait.ge [sflag:s5], $0x2000;
	s12 =	simm.s32 @!p0 $0x0  }
0x2f: {  	[sflag:s5] =	ssyncset.done $0x0;
	s13 =	sshll.u32 s12, $0xD  }
0x30: {  	[sflag:s5] =	ssyncadd.s32 $0xFFFFE000;
	s16 =	sor.u32 $0x20, s13  }
0x31: {  	s12 =	smul.u32 $0x8100, s12;
	v3 =	vld [tilespmem:s16+$0x10]  }
0x32: {  	s30 =	sand.u32 $0x1, s10;
	v2 =	vld [tilespmem:s16+$0xFFFFFFF0]  }
0x33: {  	s13 =	smul.u32 $0x8100, s30;
	s12 =	sshrl.u32 s12, $0x2;
	v0 =	vld [tilespmem:s16+$0x0]  }
0x34: {  	v1 =	vld [tilespmem:s16+$0xFFFFFFE0];
	s14 =	sor.u32 $0x4000, s12  }
0x35: {  	s31 =	sshrl.u32 s13, $0x2;
	s13 =	sadd.s32 $0x0, s14  }
0x36: {  	s15 =	simm.s32 $0x4;
	s16 =	sadd.s32 $0x40, s16;
	s12 =	sor.u32 $0x4000, s31;
	[tilespmem:s13+$0x1830 ss:$0x81] =	vst.msk $0xffff, v3  }
.LBB1_3:
0x37: {  	v3 =	vld [tilespmem:s16+$0x10];
	p1 =	sne.s32 s15, $0x1FC;
	[tilespmem:s13+$0x810 ss:$0x81] =	vst.msk $0xffff, v2;
	s17 =	smov.u32 s15;
	s15 =	sadd.s32 $0x4, s15  }
.Ltmp3:
0x38: {  	v2 =	vld [tilespmem:s16+$0xFFFFFFF0];
	[tilespmem:s13+$0x1020 ss:$0x81] =	vst.msk $0xffff, v0;
	(pc) =	sbr.rel @p1 .LBB1_3-.Ltmp3, $4  }
0x39: {  	v0 =	vld [tilespmem:s16+$0x0];
	[tilespmem:s13+$0x0 ss:$0x81] =	vst.msk $0xffff, v1  }
0x3a: {  	s13 =	sshra.s32 s17, $0x2;
	v1 =	vld [tilespmem:s16+$0xFFFFFFE0]  }
0x3b: {  	s13 =	sadd.s32 s13, s14  }
0x3c: {  	s16 =	sadd.s32 $0x40, s16;
	[tilespmem:s13+$0x1830 ss:$0x81] =	vst.msk $0xffff, v3  }
.Ltmp4:
0x3d: {  	_ = 	snop;
	(pc) =	sbr.rel .LBB1_4-.Ltmp4, $1  }
0x3e: {  	_ =	sdelay $0x3  }
.LBB1_6:
0x3f: {  	_ =	sfence.sel $0x180000  }
0x40: {  	s2 =	simm.s32 $0x1;
	[bflag:$0x0] =	sbarrier.arrive $0xFFFF  }
0x41: {  	s31 =	simm.s32 $0x2;
	[sflag:s2] =	ssyncpa.u1 $0x1  }
0x42: {  	[sflag:s31] =	ssyncpa.u1 $0x1  }
0x43: {  	p0 =	sne.s32 s0, $0x0;
	_ =	strace $0x9000004A  }
0x44: {  	s0 =	sadd.s32 @!p0 $0x100000, s1;
	[bflag:$0x2] =	sbarrier.arrive $0xFFFF  }
0x45: {  	[sflag:s0] =	ssyncadd.tile.s32 @!p0 $0x1;
	_ =	shalt  }
.Lfunc_end1:
_tile_overlayer_lowered:
.L_overlay_start_2:
0x46: {  	(tag) =	ssettag $0x2  }
0x47: {  	s0 =	rddreg [dreg:$0x0];
	s2 =	stileid.u32  }
0x48: {  	s1 =	rddreg [dreg:$0x1];
	p0 =	sne.s32 s2, $0x0  }
0x49: {  	s3 =	rddreg [dreg:$0x2];
	[bflag:$0x3] =	sbarrier.arrive $0xFFFF;
	s2 =	simm.s32 @!p0 $0x1C01  }
0x4a: {  	[timem:s3], [sflag:s2] =	dma.local @!p0 [hbm:s0], s1  }
0x4b: {  	s0 =	simm.s32 @!p0 $0x1  }
0x4c: {  	_ =	swait.ge @!p0 [sflag:s0], s1  }
0x4d: {  	s1 =	ssub.s32 @!p0 $0x0, s1;
	[sflag:s0] =	ssyncset.done @!p0 $0x0  }
0x4e: {  	[sflag:s0] =	ssyncadd.s32 @!p0 s1  }
0x4f: {  	[bflag:$0x3] =	sbarrier.arrive $0xFFFF  }
0x50: {  	_ =	shalt  }

</sc_bundles>
